<compile_context>
chip_gen: v7x
topology: tpu7x:2x2x1
jax: 0.10.2.dev20260603
libtpu: 0.0.44.dev20260713+nightly
codegen_flags: <defaults>
</compile_context>

<pallas_src>
import jax
import jax.numpy as jnp
from jax import lax
from jax.experimental import pallas as pl
from jax.experimental.pallas import tpu as pltpu
from jax.experimental.pallas import tpu_sc as plsc

_G = 1024
_E = 6400000
_NEG = -1e30
_NW = 32
_PER_W = _E // _NW
_CHUNK = 8000
_ROUNDS = _PER_W // _CHUNK
_ITERS = _CHUNK // 16
_TROWS = _G + 1


def _sc_body(xs_hbm, sb_hbm, vs_hbm, wmax_hbm, wsum_hbm,
             xbuf, sbuf, vbuf, accm, accs, semx, sems, semv):
    wid = lax.axis_index("c") * 16 + lax.axis_index("s")
    base = wid * _PER_W
    lanes = lax.iota(jnp.int32, 16)
    lanes16 = lanes + 16
    negv = jnp.full((16,), _NEG, jnp.float32)
    zerov = jnp.zeros((16,), jnp.float32)

    def init_row(i, c):
        accm[pl.ds(i * 16, 16)] = negv
        accs[pl.ds(i * 16, 16)] = zerov
        return c

    lax.fori_loop(0, _TROWS, init_row, 0)

    def start_round(r):
        sel = lax.rem(r, 2) * _CHUNK
        off = base + r * _CHUNK
        pltpu.async_copy(xs_hbm.at[pl.ds(off, _CHUNK)],
                         xbuf.at[pl.ds(sel, _CHUNK)], semx)
        pltpu.async_copy(sb_hbm.at[pl.ds(off, _CHUNK)],
                         sbuf.at[pl.ds(sel, _CHUNK)], sems)
        pltpu.async_copy(vs_hbm.at[pl.ds(off, _CHUNK)],
                         vbuf.at[pl.ds(sel, _CHUNK)], semv)

    def wait_round(r):
        sel = lax.rem(r, 2) * _CHUNK
        off = base + r * _CHUNK
        pltpu.make_async_copy(xs_hbm.at[pl.ds(off, _CHUNK)],
                              xbuf.at[pl.ds(sel, _CHUNK)], semx).wait()
        pltpu.make_async_copy(sb_hbm.at[pl.ds(off, _CHUNK)],
                              sbuf.at[pl.ds(sel, _CHUNK)], sems).wait()
        pltpu.make_async_copy(vs_hbm.at[pl.ds(off, _CHUNK)],
                              vbuf.at[pl.ds(sel, _CHUNK)], semv).wait()

    start_round(0)

    def round_body(r, carry):
        wait_round(r)

        @pl.when(r + 1 < _ROUNDS)
        def _():
            start_round(r + 1)

        sel = lax.rem(r, 2) * _CHUNK

        def it(i, ci):
            prev_sg, runm, runs = ci
            for u in range(10):
                o = sel + i * 160 + u * 16
                x = xbuf[pl.ds(o, 16)]
                sg = sbuf[pl.ds(o, 16)]
                v = vbuf[pl.ds(o, 16)]
                ok = v > 0.0
                e = jnp.where(ok, jnp.exp(x), 0.0)
                xm = jnp.where(ok, x, _NEG)
                flush = sg != prev_sg
                idx = prev_sg * 16 + lanes16
                plsc.store_scatter(accm, [idx], runm, mask=flush)
                plsc.store_scatter(accs, [idx], runs, mask=flush)
                runm = jnp.where(flush, xm, jnp.maximum(runm, xm))
                runs = jnp.where(flush, e, runs + e)
                prev_sg = sg
            return prev_sg, runm, runs

        return lax.fori_loop(0, _ITERS // 10, it, carry)

    prev_sg = jnp.full((16,), -1, jnp.int32)
    prev_sg, runm, runs = lax.fori_loop(
        0, _ROUNDS, round_body, (prev_sg, negv, zerov))

    idx = prev_sg * 16 + lanes16
    plsc.store_scatter(accm, [idx], runm)
    plsc.store_scatter(accs, [idx], runs)

    pltpu.sync_copy(accm, wmax_hbm.at[wid])
    pltpu.sync_copy(accs, wsum_hbm.at[wid])


def _combine_body(wmax_ref, wsum_ref, sx_ref, w_ref, b_ref, out_ref):
    wmax = wmax_ref[...][:, 1:, :]
    wsum = wsum_ref[...][:, 1:, :]
    seg_max = jnp.max(jnp.max(wmax, axis=0), axis=1)
    seg_sum = jnp.sum(jnp.sum(wsum, axis=0), axis=1)
    stop = jnp.sum(sx_ref[...] * w_ref[...][:, 0][None, :], axis=1) + b_ref[0]
    edge_lse = jnp.where(seg_sum > 0.0, jnp.log(seg_sum), _NEG)
    m = jnp.maximum(seg_max, stop)
    m2 = jnp.maximum(edge_lse, stop)
    lse = m2 + jnp.log(jnp.exp(edge_lse - m2) + jnp.exp(stop - m2))
    out_ref[...] = m - lse


def kernel(edge_scores, state_x, W_stop, b_stop, edge_batch, valid_edges):
    v32 = valid_edges.astype(jnp.float32)

    mesh = plsc.VectorSubcoreMesh(core_axis_name="c", subcore_axis_name="s",
                                  num_cores=2, num_subcores=16)
    sc = pl.kernel(
        _sc_body,
        out_type=(
            jax.ShapeDtypeStruct((_NW, _TROWS * 16), jnp.float32),
            jax.ShapeDtypeStruct((_NW, _TROWS * 16), jnp.float32),
        ),
        mesh=mesh,
        compiler_params=pltpu.CompilerParams(needs_layout_passes=False),
        scratch_types=[
            pltpu.VMEM((2 * _CHUNK,), jnp.float32),
            pltpu.VMEM((2 * _CHUNK,), jnp.int32),
            pltpu.VMEM((2 * _CHUNK,), jnp.float32),
            pltpu.VMEM((_TROWS * 16,), jnp.float32),
            pltpu.VMEM((_TROWS * 16,), jnp.float32),
            pltpu.SemaphoreType.DMA,
            pltpu.SemaphoreType.DMA,
            pltpu.SemaphoreType.DMA,
        ],
    )
    wmax, wsum = sc(edge_scores, edge_batch, v32)
    wmax = wmax.reshape(_NW, _TROWS, 16)
    wsum = wsum.reshape(_NW, _TROWS, 16)

    out = pl.pallas_call(
        _combine_body,
        out_shape=jax.ShapeDtypeStruct((_G,), jnp.float32),
    )(wmax, wsum, state_x, W_stop, b_stop)
    return out

# --- scband reference (transcript-rebuilt; emitter-appended) ---
"""Pipeline reference for scband-gflow-net-actor-85014582657316 (READ-ONLY COPY).

The authoritative reference and input builder live on the scoring server;
editing this copy changes nothing except your own understanding.
"""

import jax, jax.numpy as jnp
import numpy as np

G = 1024
E = 6400000
D = 128
TEMP = 1.0
NEG = -1e30


def setup_inputs(seed: int = 0) -> dict:
    key = jax.random.key(seed)
    k1, k2, k3, k4, k5 = jax.random.split(key, 5)
    edge_scores = jax.random.normal(k1, (E,), dtype=jnp.float32)
    state_x = jax.random.normal(k2, (G, D), dtype=jnp.float32)
    W_stop = jax.random.normal(k3, (D, 1), dtype=jnp.float32) * (1.0 / np.sqrt(D))
    b_stop = jnp.zeros((1,), dtype=jnp.float32)
    edge_batch = jnp.sort(jax.random.randint(k4, (E,), 0, G)).astype(jnp.int32)
    valid_edges = jax.random.bernoulli(k5, 0.8, (E,))
    return {
        "edge_scores": edge_scores,
        "state_x": state_x,
        "W_stop": W_stop,
        "b_stop": b_stop,
        "edge_batch": edge_batch,
        "valid_edges": valid_edges,
    }


def reference(edge_scores, state_x, W_stop, b_stop, edge_batch, valid_edges):
    # stop head: Linear(state_input_dim -> 1)
    stop_logits = (state_x @ W_stop + b_stop).squeeze(-1) / TEMP  # [G]
    # mask invalid edges (GFlowNetActor._policy_logits + compute_policy_log_probs)
    masked = jnp.where(valid_edges, edge_scores / TEMP, NEG)  # [E]
    # segment logsumexp over edges per graph, jointly with the stop logit
    seg_max = jax.ops.segment_max(masked, edge_batch, num_segments=G)
    seg_max = jnp.maximum(seg_max, NEG)  # empty segments -> NEG instead of -inf
    m = jnp.maximum(seg_max, stop_logits)  # [G]
    exp_edges = jnp.exp(masked - m[edge_batch])
    exp_edges = jnp.where(valid_edges, exp_edges, 0.0)
    seg_sum = jax.ops.segment_sum(exp_edges, edge_batch, num_segments=G)
    lse = m + jnp.log(seg_sum + jnp.exp(stop_logits - m))  # [G]
    log_prob_edge = masked - lse[edge_batch]  # [E]
    log_prob_stop = stop_logits - lse  # [G]
    # greedy action selection (_sample_actions with is_greedy): best edge vs stop
    best_edge_lp = jax.ops.segment_max(log_prob_edge, edge_batch, num_segments=G)
    best_edge_lp = jnp.maximum(best_edge_lp, NEG)
    log_pf = jnp.maximum(best_edge_lp, log_prob_stop)  # [G]
    return log_pf

if __name__ == "__main__":
    import jax
    _d = setup_inputs()
    print(jax.jit(kernel)(*tuple(_d.values())))

</pallas_src>

<mosaic_0001>
#map = affine_map<(d0, d1) -> (0)>
#map1 = affine_map<(d0, d1) -> (0, 0)>
module attributes {stable_mosaic.version = 14 : i64} {
  func.func @_sc_body(%arg0: i32, %arg1: i32, %arg2: memref<6400000xf32, #tpu.memory_space<hbm>>, %arg3: memref<6400000xi32, #tpu.memory_space<hbm>>, %arg4: memref<6400000xf32, #tpu.memory_space<hbm>>, %arg5: memref<32x16400xf32, #tpu.memory_space<hbm>>, %arg6: memref<32x16400xf32, #tpu.memory_space<hbm>>, %arg7: memref<16000xf32, #tpu.memory_space<vmem>>, %arg8: memref<16000xi32, #tpu.memory_space<vmem>>, %arg9: memref<16000xf32, #tpu.memory_space<vmem>>, %arg10: memref<16400xf32, #tpu.memory_space<vmem>>, %arg11: memref<16400xf32, #tpu.memory_space<vmem>>, %arg12: memref<!tpu.dma_semaphore, #tpu.memory_space<semaphore_mem>>, %arg13: memref<!tpu.dma_semaphore, #tpu.memory_space<semaphore_mem>>, %arg14: memref<!tpu.dma_semaphore, #tpu.memory_space<semaphore_mem>>) attributes {dimension_semantics = [#tpu.dimension_semantics<core_parallel>, #tpu.dimension_semantics<subcore_parallel>], iteration_bounds = array<i64: 2, 16>, scalar_prefetch = 0 : i64, scratch_operands = 8 : i64, tpu.core_type = #tpu.core_type<sc_vector_subcore>, window_params = [{transform_indices = #map}, {transform_indices = #map}, {transform_indices = #map}, {transform_indices = #map1}, {transform_indices = #map1}]} {
    %mul3A = arith.constant 16 : i32
    %mul3A_0 = arith.muli %arg0, %mul3A : i32
    %add3A = arith.addi %mul3A_0, %arg1 : i32
    %mul3A_1 = arith.constant 200000 : i32
    %mul3A_2 = arith.muli %add3A, %mul3A_1 : i32
    %iota3A = tpu.iota {dimensions = array<i32: 0>} : vector<16xi32>
    %add3A_3 = arith.constant 16 : i32
    %add3A_4 = vector.broadcast %add3A_3 : i32 to vector<16xi32>
    %add3A_5 = arith.addi %iota3A, %add3A_4 : vector<16xi32>
    %broadcast_in_dim3A = arith.constant -1.000000e+30 : f32
    %broadcast_in_dim3A_6 = vector.broadcast %broadcast_in_dim3A : f32 to vector<16xf32>
    %broadcast_in_dim3A_7 = arith.constant 0.000000e+00 : f32
    %broadcast_in_dim3A_8 = vector.broadcast %broadcast_in_dim3A_7 : f32 to vector<16xf32>
    %scan3A = arith.constant 0 : i32
    %scan3A_9 = arith.constant 0 : i32
    %scan3A_10 = arith.constant 1025 : i32
    %scan3A_11 = arith.addi %scan3A_9, %scan3A_10 : i32
    %scan3A_12 = arith.constant 1 : i32
    scf.for %scan3A_43 = %scan3A_9 to %scan3A_11 step %scan3A_12  : i32 {
      %mul3A_44 = arith.constant 16 : i32
      %mul3A_45 = arith.muli %scan3A_43, %mul3A_44 : i32
      %swap3A = arith.index_cast %mul3A_45 : i32 to index
      %swap3A_46 = tpu.vector_load %arg10[%swap3A] {strides = array<i32>} : memref<16400xf32, #tpu.memory_space<vmem>>, vector<16xf32>,
      tpu.vector_store %arg10[%swap3A], %broadcast_in_dim3A_6 {strides = array<i32>} : memref<16400xf32, #tpu.memory_space<vmem>>, vector<16xf32>,
      %mul3A_47 = arith.constant 16 : i32
      %mul3A_48 = arith.muli %scan3A_43, %mul3A_47 : i32
      %swap3A_49 = arith.index_cast %mul3A_48 : i32 to index
      %swap3A_50 = tpu.vector_load %arg11[%swap3A_49] {strides = array<i32>} : memref<16400xf32, #tpu.memory_space<vmem>>, vector<16xf32>,
      tpu.vector_store %arg11[%swap3A_49], %broadcast_in_dim3A_8 {strides = array<i32>} : memref<16400xf32, #tpu.memory_space<vmem>>, vector<16xf32>,
    }
    %scan3A_13 = arith.constant 1025 : i32
    %rem3A = arith.constant 0 : i32
    %rem3A_14 = arith.constant 2 : i32
    %rem3A_15 = arith.remsi %rem3A, %rem3A_14 : i32
    %mul3A_16 = arith.constant 8000 : i32
    %mul3A_17 = arith.muli %rem3A_15, %mul3A_16 : i32
    %add3A_18 = arith.constant 0 : i32
    %add3A_19 = arith.addi %mul3A_2, %add3A_18 : i32
    %dma_start3A = tpu.memref_slice %arg7[%mul3A_17] : memref<16000xf32, #tpu.memory_space<vmem>> -> memref<8000xf32, #tpu.memory_space<vmem>>
    %dma_start3A_20 = tpu.memref_slice %arg2[%add3A_19] : memref<6400000xf32, #tpu.memory_space<hbm>> -> memref<8000xf32, #tpu.memory_space<hbm>>
    %dma_start3A_21 = tpu.memref_slice %arg7[%mul3A_17] : memref<16000xf32, #tpu.memory_space<vmem>> -> memref<8000xf32, #tpu.memory_space<vmem>>
    %dma_start3A_22 = tpu.memref_slice %arg2[%add3A_19] : memref<6400000xf32, #tpu.memory_space<hbm>> -> memref<8000xf32, #tpu.memory_space<hbm>>
    tpu.enqueue_dma source(%dma_start3A_22 : memref<8000xf32, #tpu.memory_space<hbm>>) target(%dma_start3A_21 : memref<8000xf32, #tpu.memory_space<vmem>>) target_semaphore(%arg12 : memref<!tpu.dma_semaphore, #tpu.memory_space<semaphore_mem>>)
    %dma_start3A_23 = tpu.memref_slice %arg8[%mul3A_17] : memref<16000xi32, #tpu.memory_space<vmem>> -> memref<8000xi32, #tpu.memory_space<vmem>>
    %dma_start3A_24 = tpu.memref_slice %arg3[%add3A_19] : memref<6400000xi32, #tpu.memory_space<hbm>> -> memref<8000xi32, #tpu.memory_space<hbm>>
    %dma_start3A_25 = tpu.memref_slice %arg8[%mul3A_17] : memref<16000xi32, #tpu.memory_space<vmem>> -> memref<8000xi32, #tpu.memory_space<vmem>>
    %dma_start3A_26 = tpu.memref_slice %arg3[%add3A_19] : memref<6400000xi32, #tpu.memory_space<hbm>> -> memref<8000xi32, #tpu.memory_space<hbm>>
    tpu.enqueue_dma source(%dma_start3A_26 : memref<8000xi32, #tpu.memory_space<hbm>>) target(%dma_start3A_25 : memref<8000xi32, #tpu.memory_space<vmem>>) target_semaphore(%arg13 : memref<!tpu.dma_semaphore, #tpu.memory_space<semaphore_mem>>)
    %dma_start3A_27 = tpu.memref_slice %arg9[%mul3A_17] : memref<16000xf32, #tpu.memory_space<vmem>> -> memref<8000xf32, #tpu.memory_space<vmem>>
    %dma_start3A_28 = tpu.memref_slice %arg4[%add3A_19] : memref<6400000xf32, #tpu.memory_space<hbm>> -> memref<8000xf32, #tpu.memory_space<hbm>>
    %dma_start3A_29 = tpu.memref_slice %arg9[%mul3A_17] : memref<16000xf32, #tpu.memory_space<vmem>> -> memref<8000xf32, #tpu.memory_space<vmem>>
    %dma_start3A_30 = tpu.memref_slice %arg4[%add3A_19] : memref<6400000xf32, #tpu.memory_space<hbm>> -> memref<8000xf32, #tpu.memory_space<hbm>>
    tpu.enqueue_dma source(%dma_start3A_30 : memref<8000xf32, #tpu.memory_space<hbm>>) target(%dma_start3A_29 : memref<8000xf32, #tpu.memory_space<vmem>>) target_semaphore(%arg14 : memref<!tpu.dma_semaphore, #tpu.memory_space<semaphore_mem>>)
    %broadcast_in_dim3A_31 = arith.constant -1 : i32
    %broadcast_in_dim3A_32 = vector.broadcast %broadcast_in_dim3A_31 : i32 to vector<16xi32>
    %scan3A_33 = arith.constant 0 : i32
    %scan3A_34 = arith.constant 25 : i32
    %scan3A_35 = arith.addi %scan3A_33, %scan3A_34 : i32
    %scan3A_36 = arith.constant 1 : i32
    %scan3A_37:3 = scf.for %scan3A_43 = %scan3A_33 to %scan3A_35 step %scan3A_36 iter_args(%scan3A_44 = %broadcast_in_dim3A_32, %scan3A_45 = %broadcast_in_dim3A_6, %scan3A_46 = %broadcast_in_dim3A_8) -> (vector<16xi32>, vector<16xf32>, vector<16xf32>)  : i32 {
      %rem3A_47 = arith.constant 2 : i32
      %rem3A_48 = arith.remsi %scan3A_43, %rem3A_47 : i32
      %mul3A_49 = arith.constant 8000 : i32
      %mul3A_50 = arith.muli %rem3A_48, %mul3A_49 : i32
      %mul3A_51 = arith.constant 8000 : i32
      %mul3A_52 = arith.muli %scan3A_43, %mul3A_51 : i32
      %add3A_53 = arith.addi %mul3A_2, %mul3A_52 : i32
      %dma_wait3A = tpu.memref_slice %arg7[%mul3A_50] : memref<16000xf32, #tpu.memory_space<vmem>> -> memref<8000xf32, #tpu.memory_space<vmem>>
      %dma_wait3A_54 = tpu.memref_slice %arg2[%add3A_53] : memref<6400000xf32, #tpu.memory_space<hbm>> -> memref<8000xf32, #tpu.memory_space<hbm>>
      %dma_wait3A_55 = tpu.memref_slice %arg7[%mul3A_50] : memref<16000xf32, #tpu.memory_space<vmem>> -> memref<8000xf32, #tpu.memory_space<vmem>>
      %dma_wait3A_56 = tpu.memref_slice %arg2[%add3A_53] : memref<6400000xf32, #tpu.memory_space<hbm>> -> memref<8000xf32, #tpu.memory_space<hbm>>
      tpu.wait_dma2 semaphore(%arg12 : memref<!tpu.dma_semaphore, #tpu.memory_space<semaphore_mem>>) src(%dma_wait3A_56 : memref<8000xf32, #tpu.memory_space<hbm>>) dst(%dma_wait3A_55 : memref<8000xf32, #tpu.memory_space<vmem>>)
      %dma_wait3A_57 = tpu.memref_slice %arg8[%mul3A_50] : memref<16000xi32, #tpu.memory_space<vmem>> -> memref<8000xi32, #tpu.memory_space<vmem>>
      %dma_wait3A_58 = tpu.memref_slice %arg3[%add3A_53] : memref<6400000xi32, #tpu.memory_space<hbm>> -> memref<8000xi32, #tpu.memory_space<hbm>>
      %dma_wait3A_59 = tpu.memref_slice %arg8[%mul3A_50] : memref<16000xi32, #tpu.memory_space<vmem>> -> memref<8000xi32, #tpu.memory_space<vmem>>
      %dma_wait3A_60 = tpu.memref_slice %arg3[%add3A_53] : memref<6400000xi32, #tpu.memory_space<hbm>> -> memref<8000xi32, #tpu.memory_space<hbm>>
      tpu.wait_dma2 semaphore(%arg13 : memref<!tpu.dma_semaphore, #tpu.memory_space<semaphore_mem>>) src(%dma_wait3A_60 : memref<8000xi32, #tpu.memory_space<hbm>>) dst(%dma_wait3A_59 : memref<8000xi32, #tpu.memory_space<vmem>>)
      %dma_wait3A_61 = tpu.memref_slice %arg9[%mul3A_50] : memref<16000xf32, #tpu.memory_space<vmem>> -> memref<8000xf32, #tpu.memory_space<vmem>>
      %dma_wait3A_62 = tpu.memref_slice %arg4[%add3A_53] : memref<6400000xf32, #tpu.memory_space<hbm>> -> memref<8000xf32, #tpu.memory_space<hbm>>
      %dma_wait3A_63 = tpu.memref_slice %arg9[%mul3A_50] : memref<16000xf32, #tpu.memory_space<vmem>> -> memref<8000xf32, #tpu.memory_space<vmem>>
      %dma_wait3A_64 = tpu.memref_slice %arg4[%add3A_53] : memref<6400000xf32, #tpu.memory_space<hbm>> -> memref<8000xf32, #tpu.memory_space<hbm>>
      tpu.wait_dma2 semaphore(%arg14 : memref<!tpu.dma_semaphore, #tpu.memory_space<semaphore_mem>>) src(%dma_wait3A_64 : memref<8000xf32, #tpu.memory_space<hbm>>) dst(%dma_wait3A_63 : memref<8000xf32, #tpu.memory_space<vmem>>)
      %add3A_65 = arith.constant 1 : i32
      %add3A_66 = arith.addi %scan3A_43, %add3A_65 : i32
      %lt3A = arith.constant 25 : i32
      %lt3A_67 = arith.cmpi slt, %add3A_66, %lt3A : i32
      %convert_element_type3A = arith.extui %lt3A_67 : i1 to i32
      %cond3A = arith.constant 0 : i32
      %cond3A_68 = arith.cmpi ne, %convert_element_type3A, %cond3A : i32
      scf.if %cond3A_68 {
        %add3A_79 = arith.constant 1 : i32
        %add3A_80 = arith.addi %scan3A_43, %add3A_79 : i32
        %rem3A_81 = arith.constant 2 : i32
        %rem3A_82 = arith.remsi %add3A_80, %rem3A_81 : i32
        %mul3A_83 = arith.constant 8000 : i32
        %mul3A_84 = arith.muli %rem3A_82, %mul3A_83 : i32
        %mul3A_85 = arith.constant 8000 : i32
        %mul3A_86 = arith.muli %add3A_80, %mul3A_85 : i32
        %add3A_87 = arith.addi %mul3A_2, %mul3A_86 : i32
        %dma_start3A_88 = tpu.memref_slice %arg7[%mul3A_84] : memref<16000xf32, #tpu.memory_space<vmem>> -> memref<8000xf32, #tpu.memory_space<vmem>>
        %dma_start3A_89 = tpu.memref_slice %arg2[%add3A_87] : memref<6400000xf32, #tpu.memory_space<hbm>> -> memref<8000xf32, #tpu.memory_space<hbm>>
        %dma_start3A_90 = tpu.memref_slice %arg7[%mul3A_84] : memref<16000xf32, #tpu.memory_space<vmem>> -> memref<8000xf32, #tpu.memory_space<vmem>>
        %dma_start3A_91 = tpu.memref_slice %arg2[%add3A_87] : memref<6400000xf32, #tpu.memory_space<hbm>> -> memref<8000xf32, #tpu.memory_space<hbm>>
        tpu.enqueue_dma source(%dma_start3A_91 : memref<8000xf32, #tpu.memory_space<hbm>>) target(%dma_start3A_90 : memref<8000xf32, #tpu.memory_space<vmem>>) target_semaphore(%arg12 : memref<!tpu.dma_semaphore, #tpu.memory_space<semaphore_mem>>)
        %dma_start3A_92 = tpu.memref_slice %arg8[%mul3A_84] : memref<16000xi32, #tpu.memory_space<vmem>> -> memref<8000xi32, #tpu.memory_space<vmem>>
        %dma_start3A_93 = tpu.memref_slice %arg3[%add3A_87] : memref<6400000xi32, #tpu.memory_space<hbm>> -> memref<8000xi32, #tpu.memory_space<hbm>>
        %dma_start3A_94 = tpu.memref_slice %arg8[%mul3A_84] : memref<16000xi32, #tpu.memory_space<vmem>> -> memref<8000xi32, #tpu.memory_space<vmem>>
        %dma_start3A_95 = tpu.memref_slice %arg3[%add3A_87] : memref<6400000xi32, #tpu.memory_space<hbm>> -> memref<8000xi32, #tpu.memory_space<hbm>>
        tpu.enqueue_dma source(%dma_start3A_95 : memref<8000xi32, #tpu.memory_space<hbm>>) target(%dma_start3A_94 : memref<8000xi32, #tpu.memory_space<vmem>>) target_semaphore(%arg13 : memref<!tpu.dma_semaphore, #tpu.memory_space<semaphore_mem>>)
        %dma_start3A_96 = tpu.memref_slice %arg9[%mul3A_84] : memref<16000xf32, #tpu.memory_space<vmem>> -> memref<8000xf32, #tpu.memory_space<vmem>>
        %dma_start3A_97 = tpu.memref_slice %arg4[%add3A_87] : memref<6400000xf32, #tpu.memory_space<hbm>> -> memref<8000xf32, #tpu.memory_space<hbm>>
        %dma_start3A_98 = tpu.memref_slice %arg9[%mul3A_84] : memref<16000xf32, #tpu.memory_space<vmem>> -> memref<8000xf32, #tpu.memory_space<vmem>>
        %dma_start3A_99 = tpu.memref_slice %arg4[%add3A_87] : memref<6400000xf32, #tpu.memory_space<hbm>> -> memref<8000xf32, #tpu.memory_space<hbm>>
        tpu.enqueue_dma source(%dma_start3A_99 : memref<8000xf32, #tpu.memory_space<hbm>>) target(%dma_start3A_98 : memref<8000xf32, #tpu.memory_space<vmem>>) target_semaphore(%arg14 : memref<!tpu.dma_semaphore, #tpu.memory_space<semaphore_mem>>)
      } else {
      }
      %rem3A_69 = arith.constant 2 : i32
      %rem3A_70 = arith.remsi %scan3A_43, %rem3A_69 : i32
      %mul3A_71 = arith.constant 8000 : i32
      %mul3A_72 = arith.muli %rem3A_70, %mul3A_71 : i32
      %scan3A_73 = arith.constant 0 : i32
      %scan3A_74 = arith.constant 50 : i32
      %scan3A_75 = arith.addi %scan3A_73, %scan3A_74 : i32
      %scan3A_76 = arith.constant 1 : i32
      %scan3A_77:3 = scf.for %scan3A_79 = %scan3A_73 to %scan3A_75 step %scan3A_76 iter_args(%scan3A_80 = %scan3A_44, %scan3A_81 = %scan3A_45, %scan3A_82 = %scan3A_46) -> (vector<16xi32>, vector<16xf32>, vector<16xf32>)  : i32 {
        %mul3A_83 = arith.constant 160 : i32
        %mul3A_84 = arith.muli %scan3A_79, %mul3A_83 : i32
        %add3A_85 = arith.addi %mul3A_72, %mul3A_84 : i32
        %add3A_86 = arith.constant 0 : i32
        %add3A_87 = arith.addi %add3A_85, %add3A_86 : i32
        %get3A = arith.index_cast %add3A_87 : i32 to index
        %get3A_88 = tpu.vector_load %arg7[%get3A] {strides = array<i32>} : memref<16000xf32, #tpu.memory_space<vmem>>, vector<16xf32>,
        %get3A_89 = arith.index_cast %add3A_87 : i32 to index
        %get3A_90 = tpu.vector_load %arg8[%get3A_89] {strides = array<i32>} : memref<16000xi32, #tpu.memory_space<vmem>>, vector<16xi32>,
        %get3A_91 = arith.index_cast %add3A_87 : i32 to index
        %get3A_92 = tpu.vector_load %arg9[%get3A_91] {strides = array<i32>} : memref<16000xf32, #tpu.memory_space<vmem>>, vector<16xf32>,
        %gt3A = arith.constant 0.000000e+00 : f32
        %gt3A_93 = vector.broadcast %gt3A : f32 to vector<16xf32>
        %gt3A_94 = arith.cmpf ogt, %get3A_92, %gt3A_93 : vector<16xf32>
        %exp3A = math.exp %get3A_88 : vector<16xf32>
        %jit3A = arith.constant 0.000000e+00 : f32
        %broadcast_in_dim3A_95 = vector.broadcast %jit3A : f32 to vector<16xf32>
        %select_n3A = arith.select %gt3A_94, %exp3A, %broadcast_in_dim3A_95 : vector<16xi1>, vector<16xf32>
        %jit3A_96 = arith.constant -1.000000e+30 : f32
        %broadcast_in_dim3A_97 = vector.broadcast %jit3A_96 : f32 to vector<16xf32>
        %select_n3A_98 = arith.select %gt3A_94, %get3A_88, %broadcast_in_dim3A_97 : vector<16xi1>, vector<16xf32>
        %ne3A = arith.cmpi ne, %get3A_90, %scan3A_80 : vector<16xi32>
        %mul3A_99 = arith.constant 16 : i32
        %mul3A_100 = vector.broadcast %mul3A_99 : i32 to vector<16xi32>
        %mul3A_101 = arith.muli %scan3A_80, %mul3A_100 : vector<16xi32>
        %add3A_102 = arith.addi %mul3A_101, %add3A_5 : vector<16xi32>
        tpu.vector_store_idx %arg10[%add3A_102], %scan3A_81 masked %ne3A : memref<16400xf32, #tpu.memory_space<vmem>>[vector<16xi32>], vector<16xf32>, vector<16xi1>
        tpu.vector_store_idx %arg11[%add3A_102], %scan3A_82 masked %ne3A : memref<16400xf32, #tpu.memory_space<vmem>>[vector<16xi32>], vector<16xf32>, vector<16xi1>
        %max3A = arith.maximumf %scan3A_81, %select_n3A_98 : vector<16xf32>
        %select_n3A_103 = arith.select %ne3A, %select_n3A_98, %max3A : vector<16xi1>, vector<16xf32>
        %add3A_104 = arith.addf %scan3A_82, %select_n3A : vector<16xf32>
        %select_n3A_105 = arith.select %ne3A, %select_n3A, %add3A_104 : vector<16xi1>, vector<16xf32>
        %mul3A_106 = arith.constant 160 : i32
        %mul3A_107 = arith.muli %scan3A_79, %mul3A_106 : i32
        %add3A_108 = arith.addi %mul3A_72, %mul3A_107 : i32
        %add3A_109 = arith.constant 16 : i32
        %add3A_110 = arith.addi %add3A_108, %add3A_109 : i32
        %get3A_111 = arith.index_cast %add3A_110 : i32 to index
        %get3A_112 = tpu.vector_load %arg7[%get3A_111] {strides = array<i32>} : memref<16000xf32, #tpu.memory_space<vmem>>, vector<16xf32>,
        %get3A_113 = arith.index_cast %add3A_110 : i32 to index
        %get3A_114 = tpu.vector_load %arg8[%get3A_113] {strides = array<i32>} : memref<16000xi32, #tpu.memory_space<vmem>>, vector<16xi32>,
        %get3A_115 = arith.index_cast %add3A_110 : i32 to index
        %get3A_116 = tpu.vector_load %arg9[%get3A_115] {strides = array<i32>} : memref<16000xf32, #tpu.memory_space<vmem>>, vector<16xf32>,
        %gt3A_117 = arith.constant 0.000000e+00 : f32
        %gt3A_118 = vector.broadcast %gt3A_117 : f32 to vector<16xf32>
        %gt3A_119 = arith.cmpf ogt, %get3A_116, %gt3A_118 : vector<16xf32>
        %exp3A_120 = math.exp %get3A_112 : vector<16xf32>
        %jit3A_121 = arith.constant 0.000000e+00 : f32
        %broadcast_in_dim3A_122 = vector.broadcast %jit3A_121 : f32 to vector<16xf32>
        %select_n3A_123 = arith.select %gt3A_119, %exp3A_120, %broadcast_in_dim3A_122 : vector<16xi1>, vector<16xf32>
        %jit3A_124 = arith.constant -1.000000e+30 : f32
        %broadcast_in_dim3A_125 = vector.broadcast %jit3A_124 : f32 to vector<16xf32>
        %select_n3A_126 = arith.select %gt3A_119, %get3A_112, %broadcast_in_dim3A_125 : vector<16xi1>, vector<16xf32>
        %ne3A_127 = arith.cmpi ne, %get3A_114, %get3A_90 : vector<16xi32>
        %mul3A_128 = arith.constant 16 : i32
        %mul3A_129 = vector.broadcast %mul3A_128 : i32 to vector<16xi32>
        %mul3A_130 = arith.muli %get3A_90, %mul3A_129 : vector<16xi32>
        %add3A_131 = arith.addi %mul3A_130, %add3A_5 : vector<16xi32>
        tpu.vector_store_idx %arg10[%add3A_131], %select_n3A_103 masked %ne3A_127 : memref<16400xf32, #tpu.memory_space<vmem>>[vector<16xi32>], vector<16xf32>, vector<16xi1>
        tpu.vector_store_idx %arg11[%add3A_131], %select_n3A_105 masked %ne3A_127 : memref<16400xf32, #tpu.memory_space<vmem>>[vector<16xi32>], vector<16xf32>, vector<16xi1>
        %max3A_132 = arith.maximumf %select_n3A_103, %select_n3A_126 : vector<16xf32>
        %select_n3A_133 = arith.select %ne3A_127, %select_n3A_126, %max3A_132 : vector<16xi1>, vector<16xf32>
        %add3A_134 = arith.addf %select_n3A_105, %select_n3A_123 : vector<16xf32>
        %select_n3A_135 = arith.select %ne3A_127, %select_n3A_123, %add3A_134 : vector<16xi1>, vector<16xf32>
        %mul3A_136 = arith.constant 160 : i32
        %mul3A_137 = arith.muli %scan3A_79, %mul3A_136 : i32
        %add3A_138 = arith.addi %mul3A_72, %mul3A_137 : i32
        %add3A_139 = arith.constant 32 : i32
        %add3A_140 = arith.addi %add3A_138, %add3A_139 : i32
        %get3A_141 = arith.index_cast %add3A_140 : i32 to index
        %get3A_142 = tpu.vector_load %arg7[%get3A_141] {strides = array<i32>} : memref<16000xf32, #tpu.memory_space<vmem>>, vector<16xf32>,
        %get3A_143 = arith.index_cast %add3A_140 : i32 to index
        %get3A_144 = tpu.vector_load %arg8[%get3A_143] {strides = array<i32>} : memref<16000xi32, #tpu.memory_space<vmem>>, vector<16xi32>,
        %get3A_145 = arith.index_cast %add3A_140 : i32 to index
        %get3A_146 = tpu.vector_load %arg9[%get3A_145] {strides = array<i32>} : memref<16000xf32, #tpu.memory_space<vmem>>, vector<16xf32>,
        %gt3A_147 = arith.constant 0.000000e+00 : f32
        %gt3A_148 = vector.broadcast %gt3A_147 : f32 to vector<16xf32>
        %gt3A_149 = arith.cmpf ogt, %get3A_146, %gt3A_148 : vector<16xf32>
        %exp3A_150 = math.exp %get3A_142 : vector<16xf32>
        %jit3A_151 = arith.constant 0.000000e+00 : f32
        %broadcast_in_dim3A_152 = vector.broadcast %jit3A_151 : f32 to vector<16xf32>
        %select_n3A_153 = arith.select %gt3A_149, %exp3A_150, %broadcast_in_dim3A_152 : vector<16xi1>, vector<16xf32>
        %jit3A_154 = arith.constant -1.000000e+30 : f32
        %broadcast_in_dim3A_155 = vector.broadcast %jit3A_154 : f32 to vector<16xf32>
        %select_n3A_156 = arith.select %gt3A_149, %get3A_142, %broadcast_in_dim3A_155 : vector<16xi1>, vector<16xf32>
        %ne3A_157 = arith.cmpi ne, %get3A_144, %get3A_114 : vector<16xi32>
        %mul3A_158 = arith.constant 16 : i32
        %mul3A_159 = vector.broadcast %mul3A_158 : i32 to vector<16xi32>
        %mul3A_160 = arith.muli %get3A_114, %mul3A_159 : vector<16xi32>
        %add3A_161 = arith.addi %mul3A_160, %add3A_5 : vector<16xi32>
        tpu.vector_store_idx %arg10[%add3A_161], %select_n3A_133 masked %ne3A_157 : memref<16400xf32, #tpu.memory_space<vmem>>[vector<16xi32>], vector<16xf32>, vector<16xi1>
        tpu.vector_store_idx %arg11[%add3A_161], %select_n3A_135 masked %ne3A_157 : memref<16400xf32, #tpu.memory_space<vmem>>[vector<16xi32>], vector<16xf32>, vector<16xi1>
        %max3A_162 = arith.maximumf %select_n3A_133, %select_n3A_156 : vector<16xf32>
        %select_n3A_163 = arith.select %ne3A_157, %select_n3A_156, %max3A_162 : vector<16xi1>, vector<16xf32>
        %add3A_164 = arith.addf %select_n3A_135, %select_n3A_153 : vector<16xf32>
        %select_n3A_165 = arith.select %ne3A_157, %select_n3A_153, %add3A_164 : vector<16xi1>, vector<16xf32>
        %mul3A_166 = arith.constant 160 : i32
        %mul3A_167 = arith.muli %scan3A_79, %mul3A_166 : i32
        %add3A_168 = arith.addi %mul3A_72, %mul3A_167 : i32
        %add3A_169 = arith.constant 48 : i32
        %add3A_170 = arith.addi %add3A_168, %add3A_169 : i32
        %get3A_171 = arith.index_cast %add3A_170 : i32 to index
        %get3A_172 = tpu.vector_load %arg7[%get3A_171] {strides = array<i32>} : memref<16000xf32, #tpu.memory_space<vmem>>, vector<16xf32>,
        %get3A_173 = arith.index_cast %add3A_170 : i32 to index
        %get3A_174 = tpu.vector_load %arg8[%get3A_173] {strides = array<i32>} : memref<16000xi32, #tpu.memory_space<vmem>>, vector<16xi32>,
        %get3A_175 = arith.index_cast %add3A_170 : i32 to index
        %get3A_176 = tpu.vector_load %arg9[%get3A_175] {strides = array<i32>} : memref<16000xf32, #tpu.memory_space<vmem>>, vector<16xf32>,
        %gt3A_177 = arith.constant 0.000000e+00 : f32
        %gt3A_178 = vector.broadcast %gt3A_177 : f32 to vector<16xf32>
        %gt3A_179 = arith.cmpf ogt, %get3A_176, %gt3A_178 : vector<16xf32>
        %exp3A_180 = math.exp %get3A_172 : vector<16xf32>
        %jit3A_181 = arith.constant 0.000000e+00 : f32
        %broadcast_in_dim3A_182 = vector.broadcast %jit3A_181 : f32 to vector<16xf32>
        %select_n3A_183 = arith.select %gt3A_179, %exp3A_180, %broadcast_in_dim3A_182 : vector<16xi1>, vector<16xf32>
        %jit3A_184 = arith.constant -1.000000e+30 : f32
        %broadcast_in_dim3A_185 = vector.broadcast %jit3A_184 : f32 to vector<16xf32>
        %select_n3A_186 = arith.select %gt3A_179, %get3A_172, %broadcast_in_dim3A_185 : vector<16xi1>, vector<16xf32>
        %ne3A_187 = arith.cmpi ne, %get3A_174, %get3A_144 : vector<16xi32>
        %mul3A_188 = arith.constant 16 : i32
        %mul3A_189 = vector.broadcast %mul3A_188 : i32 to vector<16xi32>
        %mul3A_190 = arith.muli %get3A_144, %mul3A_189 : vector<16xi32>
        %add3A_191 = arith.addi %mul3A_190, %add3A_5 : vector<16xi32>
        tpu.vector_store_idx %arg10[%add3A_191], %select_n3A_163 masked %ne3A_187 : memref<16400xf32, #tpu.memory_space<vmem>>[vector<16xi32>], vector<16xf32>, vector<16xi1>
        tpu.vector_store_idx %arg11[%add3A_191], %select_n3A_165 masked %ne3A_187 : memref<16400xf32, #tpu.memory_space<vmem>>[vector<16xi32>], vector<16xf32>, vector<16xi1>
        %max3A_192 = arith.maximumf %select_n3A_163, %select_n3A_186 : vector<16xf32>
        %select_n3A_193 = arith.select %ne3A_187, %select_n3A_186, %max3A_192 : vector<16xi1>, vector<16xf32>
        %add3A_194 = arith.addf %select_n3A_165, %select_n3A_183 : vector<16xf32>
        %select_n3A_195 = arith.select %ne3A_187, %select_n3A_183, %add3A_194 : vector<16xi1>, vector<16xf32>
        %mul3A_196 = arith.constant 160 : i32
        %mul3A_197 = arith.muli %scan3A_79, %mul3A_196 : i32
        %add3A_198 = arith.addi %mul3A_72, %mul3A_197 : i32
        %add3A_199 = arith.constant 64 : i32
        %add3A_200 = arith.addi %add3A_198, %add3A_199 : i32
        %get3A_201 = arith.index_cast %add3A_200 : i32 to index
        %get3A_202 = tpu.vector_load %arg7[%get3A_201] {strides = array<i32>} : memref<16000xf32, #tpu.memory_space<vmem>>, vector<16xf32>,
        %get3A_203 = arith.index_cast %add3A_200 : i32 to index
        %get3A_204 = tpu.vector_load %arg8[%get3A_203] {strides = array<i32>} : memref<16000xi32, #tpu.memory_space<vmem>>, vector<16xi32>,
        %get3A_205 = arith.index_cast %add3A_200 : i32 to index
        %get3A_206 = tpu.vector_load %arg9[%get3A_205] {strides = array<i32>} : memref<16000xf32, #tpu.memory_space<vmem>>, vector<16xf32>,
        %gt3A_207 = arith.constant 0.000000e+00 : f32
        %gt3A_208 = vector.broadcast %gt3A_207 : f32 to vector<16xf32>
        %gt3A_209 = arith.cmpf ogt, %get3A_206, %gt3A_208 : vector<16xf32>
        %exp3A_210 = math.exp %get3A_202 : vector<16xf32>
        %jit3A_211 = arith.constant 0.000000e+00 : f32
        %broadcast_in_dim3A_212 = vector.broadcast %jit3A_211 : f32 to vector<16xf32>
        %select_n3A_213 = arith.select %gt3A_209, %exp3A_210, %broadcast_in_dim3A_212 : vector<16xi1>, vector<16xf32>
        %jit3A_214 = arith.constant -1.000000e+30 : f32
        %broadcast_in_dim3A_215 = vector.broadcast %jit3A_214 : f32 to vector<16xf32>
        %select_n3A_216 = arith.select %gt3A_209, %get3A_202, %broadcast_in_dim3A_215 : vector<16xi1>, vector<16xf32>
        %ne3A_217 = arith.cmpi ne, %get3A_204, %get3A_174 : vector<16xi32>
        %mul3A_218 = arith.constant 16 : i32
        %mul3A_219 = vector.broadcast %mul3A_218 : i32 to vector<16xi32>
        %mul3A_220 = arith.muli %get3A_174, %mul3A_219 : vector<16xi32>
        %add3A_221 = arith.addi %mul3A_220, %add3A_5 : vector<16xi32>
        tpu.vector_store_idx %arg10[%add3A_221], %select_n3A_193 masked %ne3A_217 : memref<16400xf32, #tpu.memory_space<vmem>>[vector<16xi32>], vector<16xf32>, vector<16xi1>
        tpu.vector_store_idx %arg11[%add3A_221], %select_n3A_195 masked %ne3A_217 : memref<16400xf32, #tpu.memory_space<vmem>>[vector<16xi32>], vector<16xf32>, vector<16xi1>
        %max3A_222 = arith.maximumf %select_n3A_193, %select_n3A_216 : vector<16xf32>
        %select_n3A_223 = arith.select %ne3A_217, %select_n3A_216, %max3A_222 : vector<16xi1>, vector<16xf32>
        %add3A_224 = arith.addf %select_n3A_195, %select_n3A_213 : vector<16xf32>
        %select_n3A_225 = arith.select %ne3A_217, %select_n3A_213, %add3A_224 : vector<16xi1>, vector<16xf32>
        %mul3A_226 = arith.constant 160 : i32
        %mul3A_227 = arith.muli %scan3A_79, %mul3A_226 : i32
        %add3A_228 = arith.addi %mul3A_72, %mul3A_227 : i32
        %add3A_229 = arith.constant 80 : i32
        %add3A_230 = arith.addi %add3A_228, %add3A_229 : i32
        %get3A_231 = arith.index_cast %add3A_230 : i32 to index
        %get3A_232 = tpu.vector_load %arg7[%get3A_231] {strides = array<i32>} : memref<16000xf32, #tpu.memory_space<vmem>>, vector<16xf32>,
        %get3A_233 = arith.index_cast %add3A_230 : i32 to index
        %get3A_234 = tpu.vector_load %arg8[%get3A_233] {strides = array<i32>} : memref<16000xi32, #tpu.memory_space<vmem>>, vector<16xi32>,
        %get3A_235 = arith.index_cast %add3A_230 : i32 to index
        %get3A_236 = tpu.vector_load %arg9[%get3A_235] {strides = array<i32>} : memref<16000xf32, #tpu.memory_space<vmem>>, vector<16xf32>,
        %gt3A_237 = arith.constant 0.000000e+00 : f32
        %gt3A_238 = vector.broadcast %gt3A_237 : f32 to vector<16xf32>
        %gt3A_239 = arith.cmpf ogt, %get3A_236, %gt3A_238 : vector<16xf32>
        %exp3A_240 = math.exp %get3A_232 : vector<16xf32>
        %jit3A_241 = arith.constant 0.000000e+00 : f32
        %broadcast_in_dim3A_242 = vector.broadcast %jit3A_241 : f32 to vector<16xf32>
        %select_n3A_243 = arith.select %gt3A_239, %exp3A_240, %broadcast_in_dim3A_242 : vector<16xi1>, vector<16xf32>
        %jit3A_244 = arith.constant -1.000000e+30 : f32
        %broadcast_in_dim3A_245 = vector.broadcast %jit3A_244 : f32 to vector<16xf32>
        %select_n3A_246 = arith.select %gt3A_239, %get3A_232, %broadcast_in_dim3A_245 : vector<16xi1>, vector<16xf32>
        %ne3A_247 = arith.cmpi ne, %get3A_234, %get3A_204 : vector<16xi32>
        %mul3A_248 = arith.constant 16 : i32
        %mul3A_249 = vector.broadcast %mul3A_248 : i32 to vector<16xi32>
        %mul3A_250 = arith.muli %get3A_204, %mul3A_249 : vector<16xi32>
        %add3A_251 = arith.addi %mul3A_250, %add3A_5 : vector<16xi32>
        tpu.vector_store_idx %arg10[%add3A_251], %select_n3A_223 masked %ne3A_247 : memref<16400xf32, #tpu.memory_space<vmem>>[vector<16xi32>], vector<16xf32>, vector<16xi1>
        tpu.vector_store_idx %arg11[%add3A_251], %select_n3A_225 masked %ne3A_247 : memref<16400xf32, #tpu.memory_space<vmem>>[vector<16xi32>], vector<16xf32>, vector<16xi1>
        %max3A_252 = arith.maximumf %select_n3A_223, %select_n3A_246 : vector<16xf32>
        %select_n3A_253 = arith.select %ne3A_247, %select_n3A_246, %max3A_252 : vector<16xi1>, vector<16xf32>
        %add3A_254 = arith.addf %select_n3A_225, %select_n3A_243 : vector<16xf32>
        %select_n3A_255 = arith.select %ne3A_247, %select_n3A_243, %add3A_254 : vector<16xi1>, vector<16xf32>
        %mul3A_256 = arith.constant 160 : i32
        %mul3A_257 = arith.muli %scan3A_79, %mul3A_256 : i32
        %add3A_258 = arith.addi %mul3A_72, %mul3A_257 : i32
        %add3A_259 = arith.constant 96 : i32
        %add3A_260 = arith.addi %add3A_258, %add3A_259 : i32
        %get3A_261 = arith.index_cast %add3A_260 : i32 to index
        %get3A_262 = tpu.vector_load %arg7[%get3A_261] {strides = array<i32>} : memref<16000xf32, #tpu.memory_space<vmem>>, vector<16xf32>,
        %get3A_263 = arith.index_cast %add3A_260 : i32 to index
        %get3A_264 = tpu.vector_load %arg8[%get3A_263] {strides = array<i32>} : memref<16000xi32, #tpu.memory_space<vmem>>, vector<16xi32>,
        %get3A_265 = arith.index_cast %add3A_260 : i32 to index
        %get3A_266 = tpu.vector_load %arg9[%get3A_265] {strides = array<i32>} : memref<16000xf32, #tpu.memory_space<vmem>>, vector<16xf32>,
        %gt3A_267 = arith.constant 0.000000e+00 : f32
        %gt3A_268 = vector.broadcast %gt3A_267 : f32 to vector<16xf32>
        %gt3A_269 = arith.cmpf ogt, %get3A_266, %gt3A_268 : vector<16xf32>
        %exp3A_270 = math.exp %get3A_262 : vector<16xf32>
        %jit3A_271 = arith.constant 0.000000e+00 : f32
        %broadcast_in_dim3A_272 = vector.broadcast %jit3A_271 : f32 to vector<16xf32>
        %select_n3A_273 = arith.select %gt3A_269, %exp3A_270, %broadcast_in_dim3A_272 : vector<16xi1>, vector<16xf32>
        %jit3A_274 = arith.constant -1.000000e+30 : f32
        %broadcast_in_dim3A_275 = vector.broadcast %jit3A_274 : f32 to vector<16xf32>
        %select_n3A_276 = arith.select %gt3A_269, %get3A_262, %broadcast_in_dim3A_275 : vector<16xi1>, vector<16xf32>
        %ne3A_277 = arith.cmpi ne, %get3A_264, %get3A_234 : vector<16xi32>
        %mul3A_278 = arith.constant 16 : i32
        %mul3A_279 = vector.broadcast %mul3A_278 : i32 to vector<16xi32>
        %mul3A_280 = arith.muli %get3A_234, %mul3A_279 : vector<16xi32>
        %add3A_281 = arith.addi %mul3A_280, %add3A_5 : vector<16xi32>
        tpu.vector_store_idx %arg10[%add3A_281], %select_n3A_253 masked %ne3A_277 : memref<16400xf32, #tpu.memory_space<vmem>>[vector<16xi32>], vector<16xf32>, vector<16xi1>
        tpu.vector_store_idx %arg11[%add3A_281], %select_n3A_255 masked %ne3A_277 : memref<16400xf32, #tpu.memory_space<vmem>>[vector<16xi32>], vector<16xf32>, vector<16xi1>
        %max3A_282 = arith.maximumf %select_n3A_253, %select_n3A_276 : vector<16xf32>
        %select_n3A_283 = arith.select %ne3A_277, %select_n3A_276, %max3A_282 : vector<16xi1>, vector<16xf32>
        %add3A_284 = arith.addf %select_n3A_255, %select_n3A_273 : vector<16xf32>
        %select_n3A_285 = arith.select %ne3A_277, %select_n3A_273, %add3A_284 : vector<16xi1>, vector<16xf32>
        %mul3A_286 = arith.constant 160 : i32
        %mul3A_287 = arith.muli %scan3A_79, %mul3A_286 : i32
        %add3A_288 = arith.addi %mul3A_72, %mul3A_287 : i32
        %add3A_289 = arith.constant 112 : i32
        %add3A_290 = arith.addi %add3A_288, %add3A_289 : i32
        %get3A_291 = arith.index_cast %add3A_290 : i32 to index
        %get3A_292 = tpu.vector_load %arg7[%get3A_291] {strides = array<i32>} : memref<16000xf32, #tpu.memory_space<vmem>>, vector<16xf32>,
        %get3A_293 = arith.index_cast %add3A_290 : i32 to index
        %get3A_294 = tpu.vector_load %arg8[%get3A_293] {strides = array<i32>} : memref<16000xi32, #tpu.memory_space<vmem>>, vector<16xi32>,
        %get3A_295 = arith.index_cast %add3A_290 : i32 to index
        %get3A_296 = tpu.vector_load %arg9[%get3A_295] {strides = array<i32>} : memref<16000xf32, #tpu.memory_space<vmem>>, vector<16xf32>,
        %gt3A_297 = arith.constant 0.000000e+00 : f32
        %gt3A_298 = vector.broadcast %gt3A_297 : f32 to vector<16xf32>
        %gt3A_299 = arith.cmpf ogt, %get3A_296, %gt3A_298 : vector<16xf32>
        %exp3A_300 = math.exp %get3A_292 : vector<16xf32>
        %jit3A_301 = arith.constant 0.000000e+00 : f32
        %broadcast_in_dim3A_302 = vector.broadcast %jit3A_301 : f32 to vector<16xf32>
        %select_n3A_303 = arith.select %gt3A_299, %exp3A_300, %broadcast_in_dim3A_302 : vector<16xi1>, vector<16xf32>
        %jit3A_304 = arith.constant -1.000000e+30 : f32
        %broadcast_in_dim3A_305 = vector.broadcast %jit3A_304 : f32 to vector<16xf32>
        %select_n3A_306 = arith.select %gt3A_299, %get3A_292, %broadcast_in_dim3A_305 : vector<16xi1>, vector<16xf32>
        %ne3A_307 = arith.cmpi ne, %get3A_294, %get3A_264 : vector<16xi32>
        %mul3A_308 = arith.constant 16 : i32
        %mul3A_309 = vector.broadcast %mul3A_308 : i32 to vector<16xi32>
        %mul3A_310 = arith.muli %get3A_264, %mul3A_309 : vector<16xi32>
        %add3A_311 = arith.addi %mul3A_310, %add3A_5 : vector<16xi32>
        tpu.vector_store_idx %arg10[%add3A_311], %select_n3A_283 masked %ne3A_307 : memref<16400xf32, #tpu.memory_space<vmem>>[vector<16xi32>], vector<16xf32>, vector<16xi1>
        tpu.vector_store_idx %arg11[%add3A_311], %select_n3A_285 masked %ne3A_307 : memref<16400xf32, #tpu.memory_space<vmem>>[vector<16xi32>], vector<16xf32>, vector<16xi1>
        %max3A_312 = arith.maximumf %select_n3A_283, %select_n3A_306 : vector<16xf32>
        %select_n3A_313 = arith.select %ne3A_307, %select_n3A_306, %max3A_312 : vector<16xi1>, vector<16xf32>
        %add3A_314 = arith.addf %select_n3A_285, %select_n3A_303 : vector<16xf32>
        %select_n3A_315 = arith.select %ne3A_307, %select_n3A_303, %add3A_314 : vector<16xi1>, vector<16xf32>
        %mul3A_316 = arith.constant 160 : i32
        %mul3A_317 = arith.muli %scan3A_79, %mul3A_316 : i32
        %add3A_318 = arith.addi %mul3A_72, %mul3A_317 : i32
        %add3A_319 = arith.constant 128 : i32
        %add3A_320 = arith.addi %add3A_318, %add3A_319 : i32
        %get3A_321 = arith.index_cast %add3A_320 : i32 to index
        %get3A_322 = tpu.vector_load %arg7[%get3A_321] {strides = array<i32>} : memref<16000xf32, #tpu.memory_space<vmem>>, vector<16xf32>,
        %get3A_323 = arith.index_cast %add3A_320 : i32 to index
        %get3A_324 = tpu.vector_load %arg8[%get3A_323] {strides = array<i32>} : memref<16000xi32, #tpu.memory_space<vmem>>, vector<16xi32>,
        %get3A_325 = arith.index_cast %add3A_320 : i32 to index
        %get3A_326 = tpu.vector_load %arg9[%get3A_325] {strides = array<i32>} : memref<16000xf32, #tpu.memory_space<vmem>>, vector<16xf32>,
        %gt3A_327 = arith.constant 0.000000e+00 : f32
        %gt3A_328 = vector.broadcast %gt3A_327 : f32 to vector<16xf32>
        %gt3A_329 = arith.cmpf ogt, %get3A_326, %gt3A_328 : vector<16xf32>
        %exp3A_330 = math.exp %get3A_322 : vector<16xf32>
        %jit3A_331 = arith.constant 0.000000e+00 : f32
        %broadcast_in_dim3A_332 = vector.broadcast %jit3A_331 : f32 to vector<16xf32>
        %select_n3A_333 = arith.select %gt3A_329, %exp3A_330, %broadcast_in_dim3A_332 : vector<16xi1>, vector<16xf32>
        %jit3A_334 = arith.constant -1.000000e+30 : f32
        %broadcast_in_dim3A_335 = vector.broadcast %jit3A_334 : f32 to vector<16xf32>
        %select_n3A_336 = arith.select %gt3A_329, %get3A_322, %broadcast_in_dim3A_335 : vector<16xi1>, vector<16xf32>
        %ne3A_337 = arith.cmpi ne, %get3A_324, %get3A_294 : vector<16xi32>
        %mul3A_338 = arith.constant 16 : i32
        %mul3A_339 = vector.broadcast %mul3A_338 : i32 to vector<16xi32>
        %mul3A_340 = arith.muli %get3A_294, %mul3A_339 : vector<16xi32>
        %add3A_341 = arith.addi %mul3A_340, %add3A_5 : vector<16xi32>
        tpu.vector_store_idx %arg10[%add3A_341], %select_n3A_313 masked %ne3A_337 : memref<16400xf32, #tpu.memory_space<vmem>>[vector<16xi32>], vector<16xf32>, vector<16xi1>
        tpu.vector_store_idx %arg11[%add3A_341], %select_n3A_315 masked %ne3A_337 : memref<16400xf32, #tpu.memory_space<vmem>>[vector<16xi32>], vector<16xf32>, vector<16xi1>
        %max3A_342 = arith.maximumf %select_n3A_313, %select_n3A_336 : vector<16xf32>
        %select_n3A_343 = arith.select %ne3A_337, %select_n3A_336, %max3A_342 : vector<16xi1>, vector<16xf32>
        %add3A_344 = arith.addf %select_n3A_315, %select_n3A_333 : vector<16xf32>
        %select_n3A_345 = arith.select %ne3A_337, %select_n3A_333, %add3A_344 : vector<16xi1>, vector<16xf32>
        %mul3A_346 = arith.constant 160 : i32
        %mul3A_347 = arith.muli %scan3A_79, %mul3A_346 : i32
        %add3A_348 = arith.addi %mul3A_72, %mul3A_347 : i32
        %add3A_349 = arith.constant 144 : i32
        %add3A_350 = arith.addi %add3A_348, %add3A_349 : i32
        %get3A_351 = arith.index_cast %add3A_350 : i32 to index
        %get3A_352 = tpu.vector_load %arg7[%get3A_351] {strides = array<i32>} : memref<16000xf32, #tpu.memory_space<vmem>>, vector<16xf32>,
        %get3A_353 = arith.index_cast %add3A_350 : i32 to index
        %get3A_354 = tpu.vector_load %arg8[%get3A_353] {strides = array<i32>} : memref<16000xi32, #tpu.memory_space<vmem>>, vector<16xi32>,
        %get3A_355 = arith.index_cast %add3A_350 : i32 to index
        %get3A_356 = tpu.vector_load %arg9[%get3A_355] {strides = array<i32>} : memref<16000xf32, #tpu.memory_space<vmem>>, vector<16xf32>,
        %gt3A_357 = arith.constant 0.000000e+00 : f32
        %gt3A_358 = vector.broadcast %gt3A_357 : f32 to vector<16xf32>
        %gt3A_359 = arith.cmpf ogt, %get3A_356, %gt3A_358 : vector<16xf32>
        %exp3A_360 = math.exp %get3A_352 : vector<16xf32>
        %jit3A_361 = arith.constant 0.000000e+00 : f32
        %broadcast_in_dim3A_362 = vector.broadcast %jit3A_361 : f32 to vector<16xf32>
        %select_n3A_363 = arith.select %gt3A_359, %exp3A_360, %broadcast_in_dim3A_362 : vector<16xi1>, vector<16xf32>
        %jit3A_364 = arith.constant -1.000000e+30 : f32
        %broadcast_in_dim3A_365 = vector.broadcast %jit3A_364 : f32 to vector<16xf32>
        %select_n3A_366 = arith.select %gt3A_359, %get3A_352, %broadcast_in_dim3A_365 : vector<16xi1>, vector<16xf32>
        %ne3A_367 = arith.cmpi ne, %get3A_354, %get3A_324 : vector<16xi32>
        %mul3A_368 = arith.constant 16 : i32
        %mul3A_369 = vector.broadcast %mul3A_368 : i32 to vector<16xi32>
        %mul3A_370 = arith.muli %get3A_324, %mul3A_369 : vector<16xi32>
        %add3A_371 = arith.addi %mul3A_370, %add3A_5 : vector<16xi32>
        tpu.vector_store_idx %arg10[%add3A_371], %select_n3A_343 masked %ne3A_367 : memref<16400xf32, #tpu.memory_space<vmem>>[vector<16xi32>], vector<16xf32>, vector<16xi1>
        tpu.vector_store_idx %arg11[%add3A_371], %select_n3A_345 masked %ne3A_367 : memref<16400xf32, #tpu.memory_space<vmem>>[vector<16xi32>], vector<16xf32>, vector<16xi1>
        %max3A_372 = arith.maximumf %select_n3A_343, %select_n3A_366 : vector<16xf32>
        %select_n3A_373 = arith.select %ne3A_367, %select_n3A_366, %max3A_372 : vector<16xi1>, vector<16xf32>
        %add3A_374 = arith.addf %select_n3A_345, %select_n3A_363 : vector<16xf32>
        %select_n3A_375 = arith.select %ne3A_367, %select_n3A_363, %add3A_374 : vector<16xi1>, vector<16xf32>
        scf.yield %get3A_354, %select_n3A_373, %select_n3A_375 : vector<16xi32>, vector<16xf32>, vector<16xf32>
      }
      %scan3A_78 = arith.constant 50 : i32
      scf.yield %scan3A_77#0, %scan3A_77#1, %scan3A_77#2 : vector<16xi32>, vector<16xf32>, vector<16xf32>
    }
    %scan3A_38 = arith.constant 25 : i32
    %mul3A_39 = arith.constant 16 : i32
    %mul3A_40 = vector.broadcast %mul3A_39 : i32 to vector<16xi32>
    %mul3A_41 = arith.muli %scan3A_37#0, %mul3A_40 : vector<16xi32>
    %add3A_42 = arith.addi %mul3A_41, %add3A_5 : vector<16xi32>
    tpu.vector_store_idx %arg10[%add3A_42], %scan3A_37#1 : memref<16400xf32, #tpu.memory_space<vmem>>[vector<16xi32>], vector<16xf32>,
    tpu.vector_store_idx %arg11[%add3A_42], %scan3A_37#2 : memref<16400xf32, #tpu.memory_space<vmem>>[vector<16xi32>], vector<16xf32>,
    "tpu.region"() ({
      %run_scoped3A = tpu.sem_alloc : memref<!tpu.dma_semaphore, #tpu.memory_space<semaphore_mem>>
      %dma_start3A_43 = arith.constant 0 : i32
      %dma_start3A_44 = tpu.memref_slice %arg5[%add3A, %dma_start3A_43] : memref<32x16400xf32, #tpu.memory_space<hbm>> -> memref<1x16400xf32, #tpu.memory_space<hbm>>
      %dma_start3A_45 = tpu.memref_squeeze %dma_start3A_44 : memref<1x16400xf32, #tpu.memory_space<hbm>> -> memref<16400xf32, #tpu.memory_space<hbm>>
      %dma_start3A_46 = arith.constant 0 : i32
      %dma_start3A_47 = tpu.memref_slice %arg5[%add3A, %dma_start3A_46] : memref<32x16400xf32, #tpu.memory_space<hbm>> -> memref<1x16400xf32, #tpu.memory_space<hbm>>
      %dma_start3A_48 = tpu.memref_squeeze %dma_start3A_47 : memref<1x16400xf32, #tpu.memory_space<hbm>> -> memref<16400xf32, #tpu.memory_space<hbm>>
      tpu.enqueue_dma source(%arg10 : memref<16400xf32, #tpu.memory_space<vmem>>) target(%dma_start3A_48 : memref<16400xf32, #tpu.memory_space<hbm>>) target_semaphore(%run_scoped3A : memref<!tpu.dma_semaphore, #tpu.memory_space<semaphore_mem>>)
      %dma_wait3A = arith.constant 0 : i32
      %dma_wait3A_49 = tpu.memref_slice %arg5[%add3A, %dma_wait3A] : memref<32x16400xf32, #tpu.memory_space<hbm>> -> memref<1x16400xf32, #tpu.memory_space<hbm>>
      %dma_wait3A_50 = tpu.memref_squeeze %dma_wait3A_49 : memref<1x16400xf32, #tpu.memory_space<hbm>> -> memref<16400xf32, #tpu.memory_space<hbm>>
      %dma_wait3A_51 = arith.constant 0 : i32
      %dma_wait3A_52 = tpu.memref_slice %arg5[%add3A, %dma_wait3A_51] : memref<32x16400xf32, #tpu.memory_space<hbm>> -> memref<1x16400xf32, #tpu.memory_space<hbm>>
      %dma_wait3A_53 = tpu.memref_squeeze %dma_wait3A_52 : memref<1x16400xf32, #tpu.memory_space<hbm>> -> memref<16400xf32, #tpu.memory_space<hbm>>
      tpu.wait_dma2 semaphore(%run_scoped3A : memref<!tpu.dma_semaphore, #tpu.memory_space<semaphore_mem>>) src(%arg10 : memref<16400xf32, #tpu.memory_space<vmem>>) dst(%dma_wait3A_53 : memref<16400xf32, #tpu.memory_space<hbm>>)
      tpu.yield
    }) : () -> ()
    "tpu.region"() ({
      %run_scoped3A = tpu.sem_alloc : memref<!tpu.dma_semaphore, #tpu.memory_space<semaphore_mem>>
      %dma_start3A_43 = arith.constant 0 : i32
      %dma_start3A_44 = tpu.memref_slice %arg6[%add3A, %dma_start3A_43] : memref<32x16400xf32, #tpu.memory_space<hbm>> -> memref<1x16400xf32, #tpu.memory_space<hbm>>
      %dma_start3A_45 = tpu.memref_squeeze %dma_start3A_44 : memref<1x16400xf32, #tpu.memory_space<hbm>> -> memref<16400xf32, #tpu.memory_space<hbm>>
      %dma_start3A_46 = arith.constant 0 : i32
      %dma_start3A_47 = tpu.memref_slice %arg6[%add3A, %dma_start3A_46] : memref<32x16400xf32, #tpu.memory_space<hbm>> -> memref<1x16400xf32, #tpu.memory_space<hbm>>
      %dma_start3A_48 = tpu.memref_squeeze %dma_start3A_47 : memref<1x16400xf32, #tpu.memory_space<hbm>> -> memref<16400xf32, #tpu.memory_space<hbm>>
      tpu.enqueue_dma source(%arg11 : memref<16400xf32, #tpu.memory_space<vmem>>) target(%dma_start3A_48 : memref<16400xf32, #tpu.memory_space<hbm>>) target_semaphore(%run_scoped3A : memref<!tpu.dma_semaphore, #tpu.memory_space<semaphore_mem>>)
      %dma_wait3A = arith.constant 0 : i32
      %dma_wait3A_49 = tpu.memref_slice %arg6[%add3A, %dma_wait3A] : memref<32x16400xf32, #tpu.memory_space<hbm>> -> memref<1x16400xf32, #tpu.memory_space<hbm>>
      %dma_wait3A_50 = tpu.memref_squeeze %dma_wait3A_49 : memref<1x16400xf32, #tpu.memory_space<hbm>> -> memref<16400xf32, #tpu.memory_space<hbm>>
      %dma_wait3A_51 = arith.constant 0 : i32
      %dma_wait3A_52 = tpu.memref_slice %arg6[%add3A, %dma_wait3A_51] : memref<32x16400xf32, #tpu.memory_space<hbm>> -> memref<1x16400xf32, #tpu.memory_space<hbm>>
      %dma_wait3A_53 = tpu.memref_squeeze %dma_wait3A_52 : memref<1x16400xf32, #tpu.memory_space<hbm>> -> memref<16400xf32, #tpu.memory_space<hbm>>
      tpu.wait_dma2 semaphore(%run_scoped3A : memref<!tpu.dma_semaphore, #tpu.memory_space<semaphore_mem>>) src(%arg11 : memref<16400xf32, #tpu.memory_space<vmem>>) dst(%dma_wait3A_53 : memref<16400xf32, #tpu.memory_space<hbm>>)
      tpu.yield
    }) : () -> ()
    return
  }
}

module attributes {stable_mosaic.version = 14 : i64} {
  func.func @_combine_body(%arg0: memref<32x1025x16xf32, #tpu.memory_space<vmem>>, %arg1: memref<32x1025x16xf32, #tpu.memory_space<vmem>>, %arg2: memref<1024x128xf32, #tpu.memory_space<vmem>>, %arg3: memref<128x1xf32, #tpu.memory_space<vmem>>, %arg4: memref<1xf32, #tpu.memory_space<vmem>>, %arg5: memref<1024xf32, #tpu.memory_space<vmem>>) attributes {dimension_semantics = [], scalar_prefetch = 0 : i64, scratch_operands = 0 : i64, tpu.core_type = #tpu.core_type<tc>} {
    %get3A = arith.constant 0 : index
    %get3A_0 = arith.constant 0 : index
    %get3A_1 = arith.constant 0 : index
    %get3A_2 = vector.load %arg0[%get3A, %get3A_0, %get3A_1] : memref<32x1025x16xf32, #tpu.memory_space<vmem>>, vector<32x1025x16xf32>
    %slice3A = vector.extract_strided_slice %get3A_2 {offsets = [0, 1, 0], sizes = [32, 1024, 16], strides = [1, 1, 1]} : vector<32x1025x16xf32> to vector<32x1024x16xf32>
    %get3A_3 = arith.constant 0 : index
    %get3A_4 = arith.constant 0 : index
    %get3A_5 = arith.constant 0 : index
    %get3A_6 = vector.load %arg1[%get3A_3, %get3A_4, %get3A_5] : memref<32x1025x16xf32, #tpu.memory_space<vmem>>, vector<32x1025x16xf32>
    %slice3A_7 = vector.extract_strided_slice %get3A_6 {offsets = [0, 1, 0], sizes = [32, 1024, 16], strides = [1, 1, 1]} : vector<32x1025x16xf32> to vector<32x1024x16xf32>
    %reduce_max3A = arith.constant dense<0xFF800000> : vector<1024x16xf32>
    %reduce_max3A_8 = vector.multi_reduction <maximumf>, %slice3A, %reduce_max3A [0] : vector<32x1024x16xf32> to vector<1024x16xf32>
    %reduce_max3A_9 = arith.constant dense<0xFF800000> : vector<1024xf32>
    %reduce_max3A_10 = vector.multi_reduction <maximumf>, %reduce_max3A_8, %reduce_max3A_9 [1] : vector<1024x16xf32> to vector<1024xf32>
    %reduce_sum3A = arith.constant dense<0.000000e+00> : vector<1024x16xf32>
    %reduce_sum3A_11 = vector.multi_reduction <add>, %slice3A_7, %reduce_sum3A [0] : vector<32x1024x16xf32> to vector<1024x16xf32>
    %reduce_sum3A_12 = arith.constant dense<0.000000e+00> : vector<1024xf32>
    %reduce_sum3A_13 = vector.multi_reduction <add>, %reduce_sum3A_11, %reduce_sum3A_12 [1] : vector<1024x16xf32> to vector<1024xf32>
    %get3A_14 = arith.constant 0 : index
    %get3A_15 = arith.constant 0 : index
    %get3A_16 = vector.load %arg2[%get3A_14, %get3A_15] : memref<1024x128xf32, #tpu.memory_space<vmem>>, vector<1024x128xf32>
    %get3A_17 = arith.constant 0 : index
    %get3A_18 = arith.constant 0 : index
    %get3A_19 = vector.load %arg3[%get3A_17, %get3A_18] : memref<128x1xf32, #tpu.memory_space<vmem>>, vector<128x1xf32>
    %squeeze3A = vector.shape_cast %get3A_19 : vector<128x1xf32> to vector<128xf32>
    %broadcast_in_dim3A = vector.shape_cast %squeeze3A : vector<128xf32> to vector<1x128xf32>
    %mul3A = vector.broadcast %broadcast_in_dim3A : vector<1x128xf32> to vector<1024x128xf32>
    %mul3A_20 = arith.mulf %get3A_16, %mul3A : vector<1024x128xf32>
    %reduce_sum3A_21 = arith.constant dense<0.000000e+00> : vector<1024xf32>
    %reduce_sum3A_22 = vector.multi_reduction <add>, %mul3A_20, %reduce_sum3A_21 [1] : vector<1024x128xf32> to vector<1024xf32>
    %get3A_23 = arith.constant 0 : index
    %get3A_24 = vector.load %arg4[%get3A_23] : memref<1xf32, #tpu.memory_space<vmem>>, vector<1xf32>
    %get3A_25 = vector.extract %get3A_24[0] : f32 from vector<1xf32>
    %add3A = vector.broadcast %get3A_25 : f32 to vector<1024xf32>
    %add3A_26 = arith.addf %reduce_sum3A_22, %add3A : vector<1024xf32>
    %gt3A = arith.constant 0.000000e+00 : f32
    %gt3A_27 = vector.broadcast %gt3A : f32 to vector<1024xf32>
    %gt3A_28 = arith.cmpf ogt, %reduce_sum3A_13, %gt3A_27 : vector<1024xf32>
    %log3A = math.log %reduce_sum3A_13 : vector<1024xf32>
    %jit3A = arith.constant -1.000000e+30 : f32
    %broadcast_in_dim3A_29 = vector.broadcast %jit3A : f32 to vector<1024xf32>
    %select_n3A = arith.select %gt3A_28, %log3A, %broadcast_in_dim3A_29 : vector<1024xi1>, vector<1024xf32>
    %max3A = arith.maximumf %reduce_max3A_10, %add3A_26 : vector<1024xf32>
    %max3A_30 = arith.maximumf %select_n3A, %add3A_26 : vector<1024xf32>
    %sub3A = arith.subf %select_n3A, %max3A_30 : vector<1024xf32>
    %exp3A = math.exp %sub3A : vector<1024xf32>
    %sub3A_31 = arith.subf %add3A_26, %max3A_30 : vector<1024xf32>
    %exp3A_32 = math.exp %sub3A_31 : vector<1024xf32>
    %add3A_33 = arith.addf %exp3A, %exp3A_32 : vector<1024xf32>
    %log3A_34 = math.log %add3A_33 : vector<1024xf32>
    %add3A_35 = arith.addf %max3A_30, %log3A_34 : vector<1024xf32>
    %sub3A_36 = arith.subf %max3A, %add3A_35 : vector<1024xf32>
    %swap3A = arith.constant 0 : index
    %swap3A_37 = vector.load %arg5[%swap3A] : memref<1024xf32, #tpu.memory_space<vmem>>, vector<1024xf32>
    tpu.vector_store %arg5[%swap3A], %sub3A_36 {strides = array<i32>} : memref<1024xf32, #tpu.memory_space<vmem>>, vector<1024xf32>,
    return
  }
}

</mosaic_0001>

<sc_bundles>
// kernel: kernel.4.cloned.1.call-start
scs
__scs_entry_jumppad:
0x0: {  	(pc) =	sbr.rel $0x88, $3  }
0x1: {  	(tag) =	ssettag $0x0;
	lr =	simm.s32 $0x1  }
0x2: {  	[smem:$0x3F9B] =	sst lr;
	_ =	strace $0xD0000000  }
0x3: {  	_ = 	snop  }
0x4: {  	_ = 	snop  }
0x5: {  	_ = 	snop  }
0x6: {  	_ = 	snop  }
0x7: {  	_ = 	snop  }
__scs_overlays_trampoline_lowered:
0x8: {  	[smem:$0x3FAA] =	sst s0  }
0x9: {  	[smem:$0x3FAB] =	sst s1  }
0xa: {  	[smem:$0x3FAC] =	sst s2  }
0xb: {  	[smem:$0x3FAD] =	sst s3  }
0xc: {  	[smem:$0x3FAE] =	sst s4  }
0xd: {  	[smem:$0x3FAF] =	sst s5  }
0xe: {  	[smem:$0x3FB0] =	sst s6  }
0xf: {  	[smem:$0x3FB1] =	sst s7  }
0x10: {  	[smem:$0x3FB2] =	sst s8  }
0x11: {  	[smem:$0x3FB3] =	sst s9;
	s0 =	simm.s32 @!p0 $0x0  }
0x12: {  	s1 =	sld [smem:$0x3F99];
	s0 =	simm.s32 @p0 $0x1  }
0x13: {  	[smem:$0x3FB4] =	sst s0;
	s0 =	simm.s32 @!p1 $0x0  }
0x14: {  	s2 =	sld [smem:$0x3F98];
	s0 =	simm.s32 @p1 $0x1  }
0x15: {  	[smem:$0x3FB5] =	sst s0;
	s0 =	simm.s32 @!p2 $0x0  }
0x16: {  	s3 =	sld [smem:$0x3FDB];
	s0 =	simm.s32 @p2 $0x1  }
0x17: {  	s4 =	simm.s32 $0x1BF5;
	[smem:$0x3FB7] =	sst s0  }
0x18: {  	s0 =	sld [smem:$0x3F9A];
	_ =	swait.ge [sflag:s4], $0x0  }
0x19: {  	s7 =	sld [smem:$0x3F9B]  }
0x1a: {  	s8 =	sadd.s32 $0xFFFFE003, lr  }
0x1b: {  	s9 =	sadd.s32 $0xFFFFFEF7, lr;
	s5 =	simm.s32 $0xFFFFFFFF;
	p2 =	slt.u32 s8, $0xFFFFF086  }
0x1c: {  	p1 =	slt.u32 s9, $0xF7A;
	s5 =	simm.s32 @!p2 $0x0  }
0x1d: {  	s5 =	simm.s32 @p1 $0x1;
	p0 =	seq.s32 s7, s2  }
0x1e: {  	s7 =	smul.u32 @!p0 $0xF7A, s2;
	p2 =	seq.s32 @!p0 s5, $0x0  }
0x1f: {  	s9 =	smul.u32 $0xF7A, s1;
	s8 =	simm.s32 @!p0 $0x1BF5;
	p2 =	por !p2, p0  }
0x20: {  	[sflag:s8] =	ssyncset.s32 @!p0 $0xFFFFF086;
	s6 =	sadd.s32 @!p0 s3, s7;
	s7 =	simm.s32 @!p0 $0x108  }
0x21: {  	s3 =	sadd.s32 s3, s9;
	s6 =	sadd.s32 @!p0 $0x88, s6;
	s7 =	simm.s32 @p2 $0x1082  }
0x22: {  	[simem:s7], [sflag:s8] =	dma.local @!p0 [hbm:s6], $0xF7A  }
0x23: {  	s9 =	sor.u32 $0xD0000000, s2;
	s6 =	simm.s32 $0x108;
	_ =	swait.ge @!p0 [sflag:s8], $0x0  }
0x24: {  	s3 =	sadd.s32 $0x88, s3;
	s6 =	simm.s32 @!p1 $0x1082;
	[sflag:s4] =	ssyncset.s32 $0xFFFFF086  }
0x25: {  	[simem:s6], [sflag:s4] =	dma.local [hbm:s3], $0xF7A  }
0x26: {  	[smem:$0x3F9B] =	sst s1;
	(tag) =	ssettag s2;
	_ =	strace s9  }
0x27: {  	s1 =	sld [smem:$0x3FAB]  }
0x28: {  	s2 =	sld [smem:$0x3FAC]  }
0x29: {  	s4 =	sld [smem:$0x3FAE]  }
0x2a: {  	p0 =	seq.s32 s5, $0x0;
	s5 =	sld [smem:$0x3FAF]  }
0x2b: {  	s6 =	sld [smem:$0x3FB0]  }
0x2c: {  	s7 =	sld [smem:$0x3FB1]  }
0x2d: {  	s3 =	simm.s32 $0x108;
	s8 =	sld [smem:$0x3FB2]  }
0x2e: {  	s3 =	simm.s32 @!p0 $0x1082;
	s9 =	sld [smem:$0x3FB3]  }
0x2f: {  	lr =	sadd.s32 s0, s3;
	s0 =	sld [smem:$0x3FAA]  }
0x30: {  	s3 =	sld [smem:$0x3FAD]  }
0x31: {  	[smem:$0x3FB6] =	sst s10  }
0x32: {  	s10 =	sld [smem:$0x3FB4];
	_ =	sdelay $0x3  }
0x33: {  	p0 =	seq.s32 s10, $0x1;
	s10 =	sld [smem:$0x3FB6];
	_ =	sdelay $0x3  }
0x34: {  	[smem:$0x3FB6] =	sst s10  }
0x35: {  	s10 =	sld [smem:$0x3FB5];
	_ =	sdelay $0x3  }
0x36: {  	p1 =	seq.s32 s10, $0x1;
	s10 =	sld [smem:$0x3FB6];
	_ =	sdelay $0x3  }
0x37: {  	[smem:$0x3FB6] =	sst s10  }
0x38: {  	s10 =	sld [smem:$0x3FB7]  }
0x39: {  	_ = 	snop;
	(pc) =	sbr.ind lr, $3  }
0x3a: {  	_ = 	snop  }
0x3b: {  	_ = 	snop  }
0x3c: {  	p2 =	seq.s32 s10, $0x1;
	s10 =	sld [smem:$0x3FB6]  }
0x3d: {  	_ =	shalt  }
0x3e: {  	_ =	shalt  }
0x3f: {  	_ =	shalt  }
0x40: {  	_ =	shalt  }
0x41: {  	_ =	shalt  }
0x42: {  	_ =	shalt  }
0x43: {  	_ =	shalt  }
0x44: {  	_ =	shalt  }
0x45: {  	_ =	shalt  }
0x46: {  	_ =	shalt  }
0x47: {  	_ =	shalt  }
0x48: {  	_ =	shalt  }
0x49: {  	_ =	shalt  }
0x4a: {  	_ =	shalt  }
0x4b: {  	_ =	shalt  }
0x4c: {  	_ =	shalt  }
0x4d: {  	_ =	shalt  }
0x4e: {  	_ =	shalt  }
0x4f: {  	_ =	shalt  }
0x50: {  	_ =	shalt  }
0x51: {  	_ =	shalt  }
0x52: {  	_ =	shalt  }
0x53: {  	_ =	shalt  }
0x54: {  	_ =	shalt  }
0x55: {  	_ =	shalt  }
0x56: {  	_ =	shalt  }
0x57: {  	_ =	shalt  }
0x58: {  	_ =	shalt  }
0x59: {  	_ =	shalt  }
0x5a: {  	_ =	shalt  }
0x5b: {  	_ =	shalt  }
0x5c: {  	_ =	shalt  }
0x5d: {  	_ =	shalt  }
0x5e: {  	_ =	shalt  }
0x5f: {  	_ =	shalt  }
0x60: {  	_ =	shalt  }
0x61: {  	_ =	shalt  }
0x62: {  	_ =	shalt  }
0x63: {  	_ =	shalt  }
0x64: {  	_ =	shalt  }
0x65: {  	_ =	shalt  }
0x66: {  	_ =	shalt  }
0x67: {  	_ =	shalt  }
0x68: {  	_ =	shalt  }
0x69: {  	_ =	shalt  }
0x6a: {  	_ =	shalt  }
0x6b: {  	_ =	shalt  }
0x6c: {  	_ =	shalt  }
0x6d: {  	_ =	shalt  }
0x6e: {  	_ =	shalt  }
0x6f: {  	_ =	shalt  }
0x70: {  	_ =	shalt  }
0x71: {  	_ =	shalt  }
0x72: {  	_ =	shalt  }
0x73: {  	_ =	shalt  }
0x74: {  	_ =	shalt  }
0x75: {  	_ =	shalt  }
0x76: {  	_ =	shalt  }
0x77: {  	_ =	shalt  }
0x78: {  	_ =	shalt  }
0x79: {  	_ =	shalt  }
0x7a: {  	_ =	shalt  }
0x7b: {  	_ =	shalt  }
0x7c: {  	_ =	shalt  }
0x7d: {  	_ =	shalt  }
0x7e: {  	_ =	shalt  }
0x7f: {  	_ =	shalt  }
0x80: {  	_ =	shalt  }
0x81: {  	_ =	shalt  }
0x82: {  	_ =	shalt  }
0x83: {  	_ =	shalt  }
0x84: {  	_ =	shalt  }
0x85: {  	_ =	shalt  }
0x86: {  	_ =	shalt  }
0x87: {  	_ =	shalt  }
.Lfunc_end0:
.L_simem_size_0:
called_computation_lowered:
.L_overlay_start_0:
0x88: {  	s2 =	sld [smem:$0x3FD9]  }
0x89: {  	s3 =	sld [smem:$0x3FFE];
	_ =	sdelay $0x1  }
0x8a: {  	s1 =	srdreg.scid  }
0x8b: {  	s0 =	sand.u32 $0x1, s1  }
0x8c: {  	s17 =	sshll.u32 s0, $0xA;
	s2 =	sadd.s32 s3, s2  }
0x8d: {  	s2 =	sadd.s32 s2, s17  }
0x8e: {  	[smem:$0x3FC2] =	sst s2  }
0x8f: {  	_ = 	snop  }
0x90: {  	s2 =	sld [smem:$0x3FC9]  }
0x91: {  	s18 =	sld [smem:$0x3FC5];
	(tm) =	ssettm $0x1  }
0x92: {  	s4 =	sld [smem:$0x3FFB];
	_ =	sdelay $0x3  }
0x93: {  	_ =	strace s4  }
0x94: {  	s4 =	sld [smem:$0x3FFC];
	_ =	sdelay $0x3  }
0x95: {  	_ =	strace s4  }
0x96: {  	s4 =	sld [smem:$0x3FFD];
	_ =	sdelay $0x3  }
0x97: {  	_ =	strace s4  }
0x98: {  	_ =	strace $0x8FFFFFFF  }
0x99: {  	s19 =	sld [smem:$0x3FDB];
	_ =	sdelay $0x1  }
0x9a: {  	s5 =	simm.s32 $_scs_section_size  }
0x9b: {  	s6 =	simm.s32 $_size__tile_overlayer_lowered;
	s7 =	simm.s32 $_tile_overlayer_lowered  }
0x9c: {  	s22 =	simm.s32 $0x1BFF;
	s21 =	sshll.u32 s7, $0x1;
	s4 =	sadd.s32 s5, s19  }
0x9d: {  	s8 =	simm.s32 $0x0;
	s20 =	sshll.u32 s6, $0x1;
	s6 =	sadd.s32 s21, s4  }
0x9e: {  	[timem:s8], [sflag:s22] =	dma.local [hbm:s6], s20  }
0x9f: {  	_ =	swait.ge [sflag:s22], s20  }
0xa0: {  	s5 =	ssub.s32 $0x0, s20;
	[sflag:s22] =	ssyncset.done $0x0  }
0xa1: {  	[sflag:s22] =	ssyncadd.s32 s5;
	_ =	sdelay $0x1  }
0xa2: {  	s23 =	simm.s32 $0x1B8B  }
0xa3: {  	_ =	swait.ge [sflag:s23], $0x1  }
0xa4: {  	[sflag:s23] =	ssyncset.done $0x0  }
0xa5: {  	s25 =	simm.s32 $0x1B8E;
	s24 =	sld [smem:$0x3FFE];
	[sflag:s23] =	ssyncadd.s32 $0xFFFFFFFF  }
0xa6: {  	s26 =	simm.s32 $execute0_lowered;
	[smem:$0x3FD2] =	sst s25  }
0xa7: {  	s6 =	sshll.u32 s26, $0x1;
	_ =	strace $0x80000046;
	[dreg:$0x1] =	wrdreg $0xFFFFFFFF  }
0xa8: {  	s28 =	simm.s32 $_size_execute0_lowered;
	s4 =	sadd.s32 s4, s6;
	[dreg:$0x0] =	wrdreg $0x0  }
0xa9: {  	s6 =	sshll.u32 s28, $0x1;
	[dreg:$0x2] =	wrdreg s4  }
0xaa: {  	[dreg:$0x3] =	wrdreg s6  }
0xab: {  	[dreg:$0x4] =	wrdreg $0xC0  }
0xac: {  	_ =	task [dreg:s8], $0x5FFFF  }
0xad: {  	[dreg:$0x1] =	wrdreg $0xFFFFFFFF  }
0xae: {  	[dreg:$0x0] =	wrdreg $0x60  }
0xaf: {  	[dreg:$0x2] =	wrdreg s2  }
0xb0: {  	[dreg:$0x3] =	wrdreg s18  }
0xb1: {  	[dreg:$0x4] =	wrdreg s24  }
0xb2: {  	[dreg:$0x5] =	wrdreg $0x9  }
0xb3: {  	_ =	task.clear_ibuf [dreg:s8], $0x6FFFF;
	_ =	strace $0x90000046  }
0xb4: {  	s29 =	simm.s32 $0x9;
	_ =	strace $0x80000048  }
0xb5: {  	_ =	swait.ge [sflag:s29], $0x1  }
0xb6: {  	[sflag:s29] =	ssyncadd.s32 $0xFFFFFFFF  }
0xb7: {  	_ =	strace $0x90000048  }
0xb8: {  	_ =	sfence  }
0xb9: {  	s30 =	sld [smem:$0x0];
	_ =	sdelay $0x2  }
0xba: {  	s31 =	sshll.u32 s1, $0xD;
	s1 =	sshrl.u32 s1, $0x2  }
0xbb: {  	s3 =	sand.u32 $0x4000, s31;
	s1 =	sadd.s32 s1, s30  }
0xbc: {  	s0 =	sor.u32 s3, s0;
	s1 =	sshll.u32 s1, $0x11  }
0xbd: {  	s0 =	sor.u32 s1, s0  }
0xbe: {  	s0 =	sadd.s32 $0x8F2B, s0  }
0xbf: {  	[sflag:s0] =	ssyncadd.remote.s32 $0x1  }
0xc0: {  	_ =	sfence.sel $0xFFFF  }
0xc1: {  	[dreg:$0x0] =	wrdreg $0xFFFFFFFF;
	(pc) =	sbr.abs _section_cstart, $3  }
0xc2: {  	[dreg:$0x1] =	wrdreg $0xFFFFFFFF  }
0xc3: {  	_ =	task.clear_ibuf [dreg:s8], $0x2FFFF;
	_ =	strace $0x9FFFFFFF  }
0xc4: {  	(tm) =	ssettm $0x7FFFFFFF  }
0xc5: {  	_ =	shalt  }
tec
execute0_lowered:
.L_overlay_start_1:
0x0: {  	(tag) =	ssettag $0x1  }
0x1: {  	s1 =	rddreg [dreg:$0x0]  }
0x2: {  	s3 =	rddreg [dreg:$0x1]  }
0x3: {  	s0 =	srdreg.scid;
	s8 =	rddreg [dreg:$0x2];
	s4 =	simm.s32 $0x0  }
0x4: {  	s14 =	simm.s32 $0x7D00;
	s15 =	simm.s32 $0x1;
	s16 =	simm.s32 $0x2  }
0x5: {  	s17 =	simm.s32 $0x3;
	s18 =	simm.s32 $0xBB80;
	s7 =	sand.u32 $0x1, s0  }
0x6: {  	s19 =	simm.s32 $0xFC00;
	s0 =	stileid.u32;
	s2 =	sshll.u32 s7, $0x4  }
0x7: {  	s20 =	simm.s32 $0x80;
	s21 =	simm.s32 $0x400;
	s5 =	sor.u32 s0, s2  }
0x8: {  	s22 =	simm.s32 $0x4;
	[smem:$0x7FF] =	sst s4;
	s6 =	sshrl.u32 s5, $0x3  }
0x9: {  	s30 =	sshll.u32 s0, $0x7;
	s7 =	ssub.s32 $0x2, s7;
	s9 =	smul.u32 $0x20400, s6  }
0xa: {  	s2 =	rddreg [dreg:$0x3];
	s10 =	sand.u32 $0x380, s30;
	s5 =	smul.u32 $0x30D40, s5  }
0xb: {  	_ =	strace $0x80000047;
	s31 =	sshrl.u32 s7, $0x1;
	s9 =	sor.u32 s10, s9  }
0xc: {  	s13 =	ssub.s32 s7, s31;
	s11 =	sshrl.u32 s5, $0x3;
	s9 =	sshrl.u32 s9, $0x3  }
0xd: {  	s6 =	sadd.s32 $0xE00, s8;
	s7 =	sadd.s32 s1, s11;
	s12 =	sadd.s32 s9, s8  }
0xe: {  	v2 =	vlaneseq.u32;
	s8 =	sadd.s32 s3, s11;
	s9 =	sadd.s32 s6, s11;
	s10 =	sadd.s32 $0xC4400, s12  }
0xf: {  	v0 =	vimm.f32 $-1.000000020e+30;
	v1 =	vimm.f32 $0.0e+00;
	v2 =	vor.u32 $0x10, v2;
	s11 =	sadd.s32 $0xD4600, s12;
	s12 =	smax.u32 s13, $0x1;
	s13 =	simm.s32 $0x3E80  }
.LBB2_1:
0x10: {  	s23 =	simm.s32 $0x40;
	s24 =	simm.s32 $0x0  }
.LBB2_2:
0x11: {  	p0 =	sne.s32 s23, $0x10000;
	[tilespmem:s24+$0xBB80] =	vst v0;
	s25 =	smov.u32 s23;
	s23 =	sadd.s32 $0x40, s23  }
.Ltmp0:
0x12: {  	[tilespmem:s24+$0xFC00] =	vst v1;
	(pc) =	sbr.rel @p0 .LBB2_2-.Ltmp0, $2  }
0x13: {  	_ =	sdelay $0x2  }
0x14: {  	s24 =	sshra.s32 s25, $0x2  }
0x15: {  	[tilespmem:s24+$0xBB80] =	vst v0  }
0x16: {  	[tilespmem:s24+$0xFC00] =	vst v1;
	s23 =	simm.s32 $0x0  }
0x17: {  	[tilespmem:s23], [sflag:$0x1] =	stream.linear.gather [hbm4b:s7+s23], $0x1F40, $0x38;
	[tilespmem:$0x13C80] =	vst v63  }
0x18: {  	_ = 	snop  }
0x19: {  	[tilespmem:s13], [sflag:$0x2] =	stream.linear.gather [hbm4b:s8+s23], $0x1F40, $0x38;
	[tilespmem:$0x13C80] =	vst v63  }
0x1a: {  	_ = 	snop  }
0x1b: {  	v6 =	vimm.s32 $0xFFFFFFFF;
	v8 =	vimm.f32 $-1.000000020e+30;
	v7 =	vimm.f32 $0.0e+00;
	[tilespmem:s14], [sflag:$0x3] =	stream.linear.gather [hbm4b:s9+s23], $0x1F40, $0x38;
	[tilespmem:$0x13C80] =	vst v63  }
.LBB2_5:
0x1c: {  	_ =	swait.ge [sflag:s15], $0x1F40  }
0x1d: {  	s24 =	smov.u32 s23;
	[sflag:s15] =	ssyncset.done $0x0  }
0x1e: {  	s23 =	sadd.s32 $0x1, s23;
	p0 =	seq.s32 s24, $0x18;
	[sflag:s15] =	ssyncadd.s32 $0xFFFFE0C0  }
0x1f: {  	s24 =	sand.u32 $0x1, s24;
	s25 =	sand.u32 @!p0 $0x1, s23;
	_ =	swait.ge [sflag:s16], $0x1F40  }
0x20: {  	p1 =	seq.s32 @!p0 s25, $0x1;
	s25 =	smul.u32 @!p0 $0x1F40, s23;
	[sflag:s16] =	ssyncset.done $0x0  }
0x21: {  	s26 =	simm.s32 @!p0 $0x1F40;
	s28 =	simm.s32 @!p0 $0x0;
	[sflag:s16] =	ssyncadd.s32 $0xFFFFE0C0  }
0x22: {  	p1 =	por !p1, p0;
	s25 =	sadd.s32 @!p0 s5, s25;
	_ =	swait.ge [sflag:s17], $0x1F40  }
0x23: {  	s26 =	simm.s32 @p1 $0x0;
	s25 =	sshrl.u32 @!p0 s25, $0x3;
	[sflag:s17] =	ssyncset.done $0x0  }
0x24: {  	p1 =	seq.s32 s24, $0x1;
	s24 =	sadd.s32 @!p0 s1, s25;
	[sflag:s17] =	ssyncadd.s32 $0xFFFFE0C0  }
0x25: {  	[tilespmem:s26], [sflag:$0x1] =	stream.linear.gather @!p0 [hbm4b:s24+s28], $0x1F40, $0x38;
	[tilespmem:$0x13C80] =	vst v63  }
0x26: {  	s24 =	simm.s32 $0x1F40  }
0x27: {  	s24 =	simm.s32 @!p1 $0x0  }
0x28: {  	s29 =	sadd.s32 @!p0 $0x3E80, s26;
	s30 =	sadd.s32 @!p0 s3, s25;
	s31 =	sadd.s32 $0x3E80, s24  }
0x29: {  	[tilespmem:s29], [sflag:$0x2] =	stream.linear.gather @!p0 [hbm4b:s30+s28], $0x1F40, $0x38;
	v4 =	vmov s31;
	[tilespmem:$0x13C80] =	vst v63  }
0x2a: {  	s25 =	sadd.s32 @!p0 s6, s25;
	s26 =	sadd.s32 @!p0 $0x7D00, s26;
	s30 =	sadd.s32 $0x7D00, s24  }
0x2b: {  	[tilespmem:s26], [sflag:$0x3] =	stream.linear.gather @!p0 [hbm4b:s25+s28], $0x1F40, $0x38;
	[tilespmem:$0x13C80] =	vst v63  }
0x2c: {  	v3 =	vmov s24;
	v5 =	vmov s30;
	s25 =	simm.s32 $0x0  }
.LBB2_6:
0x2d: {  	s26 =	sshra.s32 s25, $0x2  }
0x2e: {  	v9 =	vld.idx.msk [tilespmem:v4+s26+$0x0 ss:$0x1], $0xffff;
	_ =	sdelay $0x3  }
0x2f: {  	v10 =	vld.idx.msk [tilespmem:v3+s26+$0x0 ss:$0x1], $0xffff  }
0x30: {  	vm0 =	vne.s32 v9, v6;
	v6 =	vshll.u32 v6, $0x4  }
0x31: {  	v6 =	vadd.s32 v2, v6;
	_ =	sdelay $0x2  }
0x32: {  	v11 =	vmul.f32 $1.442695020e+00, v10;
	_ =	sdelay $0x1  }
0x33: {  	v12 =	vld.idx.msk [tilespmem:v5+s26+$0x0 ss:$0x1], $0xffff;
	(erf) = vpow2.f32 v11;
	[tilespmem:v6+s18+$0x0] =	vst.idx.msk vm0, v8  }
0x34: {  	[tilespmem:v6+s19+$0x0] =	vst.idx.msk vm0, v7  }
0x35: {  	v6 =	vld.idx.msk [tilespmem:v4+s26+$0x10 ss:$0x1], $0xffff;
	_ =	sdelay $0x3  }
0x36: {  	v11 =	vld.idx.msk [tilespmem:v3+s26+$0x10 ss:$0x1], $0xffff  }
0x37: {  	vm1 =	vne.s32 v6, v9;
	v9 =	vshll.u32 v9, $0x4  }
0x38: {  	v9 =	vadd.s32 v2, v9  }
0x39: {  	vm2 =	vgt.f32 v12, $0.0e+00;
	v47 =	vpop (erf)  }
0x3a: {  	v10 =	vnsel vm2, $0xF149F2CA, v10;
	v12 =	vnsel vm2, $0x0, v47  }
0x3b: {  	v8 =	vmax.f32 v8, v10;
	v7 =	vadd.f32 v12, v7;
	v13 =	vmul.f32 $1.442695020e+00, v11  }
0x3c: {  	v8 =	vsel vm0, v10, v8  }
0x3d: {  	v10 =	vld.idx.msk [tilespmem:v5+s26+$0x10 ss:$0x1], $0xffff;
	v7 =	vsel vm0, v12, v7;
	(erf) = vpow2.f32 v13;
	[tilespmem:v9+s18+$0x0] =	vst.idx.msk vm1, v8  }
0x3e: {  	[tilespmem:v9+s19+$0x0] =	vst.idx.msk vm1, v7  }
0x3f: {  	v9 =	vld.idx.msk [tilespmem:v4+s26+$0x20 ss:$0x1], $0xffff;
	_ =	sdelay $0x3  }
0x40: {  	v48 =	vld.idx.msk [tilespmem:v3+s26+$0x20 ss:$0x1], $0xffff  }
0x41: {  	vm11 =	vne.s32 v9, v6;
	v6 =	vshll.u32 v6, $0x4  }
0x42: {  	v6 =	vadd.s32 v2, v6  }
0x43: {  	vm12 =	vgt.f32 v10, $0.0e+00;
	v10 =	vpop (erf)  }
0x44: {  	v11 =	vnsel vm12, $0xF149F2CA, v11;
	v10 =	vnsel vm12, $0x0, v10  }
0x45: {  	v8 =	vmax.f32 v8, v11;
	v7 =	vadd.f32 v10, v7;
	v49 =	vmul.f32 $1.442695020e+00, v48  }
0x46: {  	v8 =	vsel vm1, v11, v8  }
0x47: {  	v11 =	vld.idx.msk [tilespmem:v5+s26+$0x20 ss:$0x1], $0xffff;
	v7 =	vsel vm1, v10, v7;
	(erf) = vpow2.f32 v49;
	[tilespmem:v6+s18+$0x0] =	vst.idx.msk vm11, v8  }
0x48: {  	[tilespmem:v6+s19+$0x0] =	vst.idx.msk vm11, v7  }
0x49: {  	v6 =	vld.idx.msk [tilespmem:v4+s26+$0x30 ss:$0x1], $0xffff;
	_ =	sdelay $0x3  }
0x4a: {  	v10 =	vld.idx.msk [tilespmem:v3+s26+$0x30 ss:$0x1], $0xffff  }
0x4b: {  	vm13 =	vne.s32 v6, v9;
	v9 =	vshll.u32 v9, $0x4  }
0x4c: {  	v9 =	vadd.s32 v2, v9  }
0x4d: {  	vm14 =	vgt.f32 v11, $0.0e+00;
	v11 =	vpop (erf)  }
0x4e: {  	v12 =	vnsel vm14, $0xF149F2CA, v48;
	v11 =	vnsel vm14, $0x0, v11  }
0x4f: {  	v8 =	vmax.f32 v8, v12;
	v7 =	vadd.f32 v11, v7;
	v50 =	vmul.f32 $1.442695020e+00, v10  }
0x50: {  	v8 =	vsel vm11, v12, v8  }
0x51: {  	v51 =	vld.idx.msk [tilespmem:v5+s26+$0x30 ss:$0x1], $0xffff;
	v7 =	vsel vm11, v11, v7;
	(erf) = vpow2.f32 v50;
	[tilespmem:v9+s18+$0x0] =	vst.idx.msk vm13, v8  }
0x52: {  	[tilespmem:v9+s19+$0x0] =	vst.idx.msk vm13, v7  }
0x53: {  	v9 =	vld.idx.msk [tilespmem:v4+s26+$0x40 ss:$0x1], $0xffff;
	_ =	sdelay $0x3  }
0x54: {  	v11 =	vld.idx.msk [tilespmem:v3+s26+$0x40 ss:$0x1], $0xffff  }
0x55: {  	vm15 =	vne.s32 v9, v6;
	v6 =	vshll.u32 v6, $0x4  }
0x56: {  	v6 =	vadd.s32 v2, v6  }
0x57: {  	vm4 =	vgt.f32 v51, $0.0e+00;
	v52 =	vpop (erf)  }
0x58: {  	v10 =	vnsel vm4, $0xF149F2CA, v10;
	v12 =	vnsel vm4, $0x0, v52  }
0x59: {  	v8 =	vmax.f32 v8, v10;
	v7 =	vadd.f32 v12, v7;
	v53 =	vmul.f32 $1.442695020e+00, v11  }
0x5a: {  	v8 =	vsel vm13, v10, v8  }
0x5b: {  	v10 =	vld.idx.msk [tilespmem:v5+s26+$0x40 ss:$0x1], $0xffff;
	v7 =	vsel vm13, v12, v7;
	(erf) = vpow2.f32 v53;
	[tilespmem:v6+s18+$0x0] =	vst.idx.msk vm15, v8  }
0x5c: {  	[tilespmem:v6+s19+$0x0] =	vst.idx.msk vm15, v7  }
0x5d: {  	v6 =	vld.idx.msk [tilespmem:v4+s26+$0x50 ss:$0x1], $0xffff;
	_ =	sdelay $0x3  }
0x5e: {  	v54 =	vld.idx.msk [tilespmem:v3+s26+$0x50 ss:$0x1], $0xffff  }
0x5f: {  	vm5 =	vne.s32 v6, v9;
	v9 =	vshll.u32 v9, $0x4  }
0x60: {  	v9 =	vadd.s32 v2, v9  }
0x61: {  	vm6 =	vgt.f32 v10, $0.0e+00;
	v10 =	vpop (erf)  }
0x62: {  	v11 =	vnsel vm6, $0xF149F2CA, v11;
	v10 =	vnsel vm6, $0x0, v10  }
0x63: {  	v8 =	vmax.f32 v8, v11;
	v7 =	vadd.f32 v10, v7;
	v55 =	vmul.f32 $1.442695020e+00, v54  }
0x64: {  	v8 =	vsel vm15, v11, v8  }
0x65: {  	v11 =	vld.idx.msk [tilespmem:v5+s26+$0x50 ss:$0x1], $0xffff;
	v7 =	vsel vm15, v10, v7;
	(erf) = vpow2.f32 v55;
	[tilespmem:v9+s18+$0x0] =	vst.idx.msk vm5, v8  }
0x66: {  	[tilespmem:v9+s19+$0x0] =	vst.idx.msk vm5, v7  }
0x67: {  	v9 =	vld.idx.msk [tilespmem:v4+s26+$0x60 ss:$0x1], $0xffff;
	_ =	sdelay $0x3  }
0x68: {  	v10 =	vld.idx.msk [tilespmem:v3+s26+$0x60 ss:$0x1], $0xffff  }
0x69: {  	vm7 =	vne.s32 v9, v6;
	v6 =	vshll.u32 v6, $0x4  }
0x6a: {  	v6 =	vadd.s32 v2, v6  }
0x6b: {  	vm8 =	vgt.f32 v11, $0.0e+00;
	v11 =	vpop (erf)  }
0x6c: {  	v12 =	vnsel vm8, $0xF149F2CA, v54;
	v11 =	vnsel vm8, $0x0, v11  }
0x6d: {  	v8 =	vmax.f32 v8, v12;
	v7 =	vadd.f32 v11, v7;
	v56 =	vmul.f32 $1.442695020e+00, v10  }
0x6e: {  	v8 =	vsel vm5, v12, v8  }
0x6f: {  	v57 =	vld.idx.msk [tilespmem:v5+s26+$0x60 ss:$0x1], $0xffff;
	v7 =	vsel vm5, v11, v7;
	(erf) = vpow2.f32 v56;
	[tilespmem:v6+s18+$0x0] =	vst.idx.msk vm7, v8  }
0x70: {  	[tilespmem:v6+s19+$0x0] =	vst.idx.msk vm7, v7  }
0x71: {  	v6 =	vld.idx.msk [tilespmem:v4+s26+$0x70 ss:$0x1], $0xffff;
	_ =	sdelay $0x3  }
0x72: {  	v11 =	vld.idx.msk [tilespmem:v3+s26+$0x70 ss:$0x1], $0xffff  }
0x73: {  	vm9 =	vne.s32 v6, v9;
	v9 =	vshll.u32 v9, $0x4  }
0x74: {  	v9 =	vadd.s32 v2, v9  }
0x75: {  	vm10 =	vgt.f32 v57, $0.0e+00;
	v58 =	vpop (erf)  }
0x76: {  	v10 =	vnsel vm10, $0xF149F2CA, v10;
	v12 =	vnsel vm10, $0x0, v58  }
0x77: {  	v8 =	vmax.f32 v8, v10;
	v7 =	vadd.f32 v12, v7;
	v59 =	vmul.f32 $1.442695020e+00, v11  }
0x78: {  	v8 =	vsel vm7, v10, v8  }
0x79: {  	v10 =	vld.idx.msk [tilespmem:v5+s26+$0x70 ss:$0x1], $0xffff;
	v7 =	vsel vm7, v12, v7;
	(erf) = vpow2.f32 v59;
	[tilespmem:v9+s18+$0x0] =	vst.idx.msk vm9, v8  }
0x7a: {  	s28 =	sand.u32 $0x7FE0, s24;
	[tilespmem:v9+s19+$0x0] =	vst.idx.msk vm9, v7  }
0x7b: {  	v9 =	vld [tilespmem:s28+$0x3F00];
	_ =	sdelay $0x4  }
0x7c: {  	vm11 =	vne.s32 v9, v6;
	v6 =	vshll.u32 v6, $0x4  }
0x7d: {  	v6 =	vadd.s32 v2, v6  }
0x7e: {  	vm12 =	vgt.f32 v10, $0.0e+00;
	v10 =	vpop (erf)  }
0x7f: {  	v11 =	vnsel vm12, $0xF149F2CA, v11;
	v10 =	vnsel vm12, $0x0, v10  }
0x80: {  	v8 =	vmax.f32 v8, v11;
	v7 =	vadd.f32 v10, v7  }
0x81: {  	v8 =	vsel vm9, v11, v8;
	v60 =	vld [tilespmem:s28+$0x80]  }
0x82: {  	v11 =	vld [tilespmem:s28+$0x7D80];
	v7 =	vsel vm9, v10, v7;
	[tilespmem:v6+s18+$0x0] =	vst.idx.msk vm11, v8  }
0x83: {  	[tilespmem:v6+s19+$0x0] =	vst.idx.msk vm11, v7  }
0x84: {  	v10 =	vld.idx.msk [tilespmem:v3+s26+$0x90 ss:$0x1], $0xffff;
	_ =	sdelay $0x1  }
0x85: {  	v6 =	vmul.f32 $1.442695020e+00, v60;
	_ =	sdelay $0x1  }
0x86: {  	(erf) = vpow2.f32 v6  }
0x87: {  	v6 =	vmul.f32 $1.442695020e+00, v10;
	_ =	sdelay $0x1  }
0x88: {  	(erf) = vpow2.f32 v6  }
0x89: {  	v6 =	vld.idx.msk [tilespmem:v4+s26+$0x90 ss:$0x1], $0xffff;
	_ =	sdelay $0x2  }
0x8a: {  	v61 =	vld.idx.msk [tilespmem:v5+s26+$0x90 ss:$0x1], $0xffff;
	_ =	sdelay $0x1  }
0x8b: {  	vm13 =	vgt.f32 v11, $0.0e+00;
	v14 =	vpop (erf);
	vm14 =	vne.s32 v6, v9;
	v9 =	vshll.u32 v9, $0x4  }
0x8c: {  	v11 =	vnsel vm13, $0x0, v14;
	v9 =	vadd.s32 v2, v9  }
0x8d: {  	p0 =	seq.s32 s25, $0x7A80;
	v7 =	vadd.f32 v11, v7  }
.Ltmp1:
0x8e: {  	v12 =	vnsel vm13, $0xF149F2CA, v60;
	vm15 =	vgt.f32 v61, $0.0e+00;
	v62 =	vpop (erf);
	(pc) =	sbr.rel @!p0 .LBB2_6-.Ltmp1, $4  }
0x8f: {  	v8 =	vmax.f32 v8, v12;
	v7 =	vsel vm11, v11, v7;
	v11 =	vnsel vm15, $0x0, v62  }
0x90: {  	v8 =	vsel vm11, v12, v8;
	v10 =	vnsel vm15, $0xF149F2CA, v10;
	v63 =	vadd.f32 v11, v7  }
0x91: {  	[tilespmem:v9+s18+$0x0] =	vst.idx.msk vm14, v8;
	v8 =	vmax.f32 v8, v10  }
0x92: {  	s24 =	sadd.s32 $0xA0, s24;
	s25 =	sadd.s32 $0x280, s25;
	[tilespmem:v9+s19+$0x0] =	vst.idx.msk vm14, v7;
	v8 =	vsel vm14, v10, v8;
	v7 =	vsel vm14, v11, v63  }
0x93: {  	p0 =	seq.s32 s23, $0x19  }
.Ltmp2:
0x94: {  	_ = 	snop;
	(pc) =	sbr.rel @!p0 .LBB2_5-.Ltmp2, $1  }
0x95: {  	_ =	sdelay $0x3  }
0x96: {  	v3 =	vshll.u32 v6, $0x4  }
0x97: {  	v3 =	vadd.s32 v2, v3;
	_ =	sdelay $0x4  }
0x98: {  	[tilespmem:v3+s18+$0x0] =	vst.idx.msk $0xffff, v8  }
0x99: {  	[tilespmem:v3+s19+$0x0] =	vst.idx.msk $0xffff, v7  }
0x9a: {  	[hbm4b:s10+s20] =	stream.strided.scatter [tilespmem:s18], [sflag:$0x4], $0x4080, s21, s20, $0x38;
	[tilespmem:$0x13C80] =	vst v63  }
0x9b: {  	s4 =	sadd.s32 $0x1, s4;
	_ =	swait.ge [sflag:s22], $0x4080  }
0x9c: {  	p0 =	sne.s32 s4, s12;
	[sflag:s22] =	ssyncset.done $0x0  }
.Ltmp3:
0x9d: {  	[sflag:s22] =	ssyncadd.s32 $0xFFFFBF80;
	(pc) =	sbr.rel @p0 .LBB2_1-.Ltmp3, $4  }
0x9e: {  	[hbm4b:s11+s20] =	stream.strided.scatter [tilespmem:s19], [sflag:$0x4], $0x4080, s21, s20, $0x38;
	[tilespmem:$0x13C80] =	vst v63  }
0x9f: {  	_ =	swait.ge [sflag:s22], $0x4080  }
0xa0: {  	[sflag:s22] =	ssyncset.done $0x0  }
0xa1: {  	[sflag:s22] =	ssyncadd.s32 $0xFFFFBF80  }
0xa2: {  	_ =	sfence.sel $0x180000  }
0xa3: {  	[bflag:$0x0] =	sbarrier.arrive $0xFFFF  }
0xa4: {  	p0 =	sne.s32 s0, $0x0;
	_ =	strace $0x90000047  }
0xa5: {  	s0 =	sadd.s32 @!p0 $0x100000, s2;
	[bflag:$0x2] =	sbarrier.arrive $0xFFFF  }
0xa6: {  	[sflag:s0] =	ssyncadd.tile.s32 @!p0 $0x1;
	_ =	shalt  }
.Lfunc_end2:
_tile_overlayer_lowered:
.L_overlay_start_2:
0xa7: {  	(tag) =	ssettag $0x2  }
0xa8: {  	s0 =	rddreg [dreg:$0x0];
	s2 =	stileid.u32  }
0xa9: {  	s1 =	rddreg [dreg:$0x1];
	p0 =	sne.s32 s2, $0x0  }
0xaa: {  	s3 =	rddreg [dreg:$0x2];
	[bflag:$0x3] =	sbarrier.arrive $0xFFFF;
	s2 =	simm.s32 @!p0 $0x1C04  }
0xab: {  	[timem:s3], [sflag:s2] =	dma.local @!p0 [hbm:s0], s1  }
0xac: {  	s0 =	simm.s32 @!p0 $0x4  }
0xad: {  	_ =	swait.ge @!p0 [sflag:s0], s1  }
0xae: {  	s1 =	ssub.s32 @!p0 $0x0, s1;
	[sflag:s0] =	ssyncset.done @!p0 $0x0  }
0xaf: {  	[sflag:s0] =	ssyncadd.s32 @!p0 s1  }
0xb0: {  	[bflag:$0x3] =	sbarrier.arrive $0xFFFF  }
0xb1: {  	_ =	shalt  }

</sc_bundles>
